<compile_context>
chip_gen: v7x
topology: tpu7x:2x2x1
jax: 0.10.2.dev20260603
libtpu: 0.0.44.dev20260713+nightly
codegen_flags: <defaults>
</compile_context>

<pallas_src>
import functools

import jax
import jax.numpy as jnp
from jax import lax
from jax.experimental import pallas as pl
from jax.experimental.pallas import tpu as pltpu
from jax.experimental.pallas import tpu_sc as plsc

K = 8
BLOCK_V = 1024

_NEG_PAD = -2.0
_NEG_DONE = -3.0
_BIG_I32 = 2**30


def _l2n(x):
    n = jnp.sqrt(jnp.sum(x * x, axis=1, keepdims=True))
    return x / jnp.maximum(n, 1e-12)


def _qnorm_kernel(q_ref, qn_ref):
    qn_ref[...] = _l2n(q_ref[...]).astype(jnp.bfloat16)


def _simblock_kernel(vocab_size, qn_ref, v_ref, sims_ref, bm_ref):
    j = pl.program_id(0)
    vn = _l2n(v_ref[...]).astype(jnp.bfloat16)
    sims = jax.lax.dot_general(
        qn_ref[...], vn, dimension_numbers=(((1,), (1,)), ((), ())),
        preferred_element_type=jnp.float32)
    col = j * BLOCK_V + jax.lax.broadcasted_iota(jnp.int32, sims.shape, 1)
    sims = jnp.where(col >= vocab_size, _NEG_PAD, sims)
    sims_ref[0] = sims
    bm_ref[0] = jnp.max(sims, axis=1, keepdims=True)


def _blocksel_kernel(bm_ref, sel_ref, row_ref):
    bm = bm_ref[...]
    n = bm.shape[0]
    bid = jax.lax.broadcasted_iota(jnp.int32, bm.shape, 1)
    sels = []
    for _ in range(K):
        m = jnp.max(bm, axis=1)
        ci = jnp.min(jnp.where(bm == m[:, None], bid, _BIG_I32), axis=1)
        sels.append(ci)
        bm = jnp.where(bid == ci[:, None], _NEG_DONE, bm)
    sel = jnp.stack(sels, axis=0)
    sel_ref[...] = sel
    qi = jax.lax.broadcasted_iota(jnp.int32, (K, n), 1)
    row_ref[...] = sel * n + qi


def _final_kernel(g_ref, sel_ref, vals_ref, idx_ref):
    nh = sel_ref.shape[0]
    g = g_ref[...].reshape(nh, K, BLOCK_V)
    sel = sel_ref[...]
    lane = jax.lax.broadcasted_iota(jnp.int32, (nh, K, BLOCK_V), 2)
    cols = sel[:, :, None] * BLOCK_V + lane
    vals, idxs = [], []
    for _ in range(K):
        m = jnp.max(jnp.max(g, axis=2), axis=1)
        cand = jnp.where(g == m[:, None, None], cols, _BIG_I32)
        ci = jnp.min(jnp.min(cand, axis=2), axis=1)
        vals.append(m)
        idxs.append(ci)
        g = jnp.where(cols == ci[:, None, None], _NEG_DONE, g)
    vals_ref[0] = jnp.stack(vals, axis=0)
    idx_ref[0] = jnp.stack(idxs, axis=0)


def _sc_info():
    try:
        info = plsc.get_sparse_core_info()
        return info.num_cores, info.num_subcores
    except Exception:
        return 2, 16


def _sc_gather(table, rowids, n):
    nc, ns = _sc_info()
    nw = nc * ns
    nk = n * K
    b_per_w = nk // nw
    gsub = min(b_per_w, 16)
    nsub = b_per_w // gsub
    mesh = plsc.VectorSubcoreMesh(core_axis_name="c", subcore_axis_name="s")

    @functools.partial(
        pl.kernel, mesh=mesh,
        out_type=jax.ShapeDtypeStruct((nk, BLOCK_V), jnp.float32),
        scratch_types=[
            pltpu.VMEM((b_per_w,), jnp.int32),
            pltpu.VMEM((gsub, BLOCK_V), jnp.float32),
            pltpu.VMEM((gsub, BLOCK_V), jnp.float32),
            pltpu.SemaphoreType.DMA,
            pltpu.SemaphoreType.DMA,
        ],
    )
    def gather_kernel(table_hbm, idx_hbm, out_hbm, idx_v, rows_a, rows_b,
                      sem_a, sem_b):
        wid = lax.axis_index("s") * nc + lax.axis_index("c")
        base = wid * b_per_w
        pltpu.sync_copy(idx_hbm.at[pl.ds(base, b_per_w)], idx_v)
        bufs = (rows_a, rows_b)
        sems = (sem_a, sem_b)
        cps = []
        for i in range(nsub):
            cps.append(pltpu.async_copy(
                table_hbm.at[idx_v.at[pl.ds(i * gsub, gsub)]],
                bufs[i % 2], sems[i % 2]))
            if i > 0:
                cps[i - 1].wait()
                pltpu.sync_copy(bufs[(i - 1) % 2],
                                out_hbm.at[pl.ds(base + (i - 1) * gsub, gsub)])
        cps[nsub - 1].wait()
        pltpu.sync_copy(bufs[(nsub - 1) % 2],
                        out_hbm.at[pl.ds(base + (nsub - 1) * gsub, gsub)])

    return gather_kernel(table, rowids)


def kernel(embeddings, vocab_embeddings):
    orig_shape = embeddings.shape[:-1]
    d = embeddings.shape[-1]
    q = embeddings.reshape(-1, d)
    n = q.shape[0]
    vocab_size = vocab_embeddings.shape[0]
    nbh = (vocab_size + 2 * BLOCK_V - 1) // (2 * BLOCK_V)
    nb = 2 * nbh
    vpad = nb * BLOCK_V
    v = jnp.pad(vocab_embeddings, ((0, vpad - vocab_size), (0, 0)))

    qn = pl.pallas_call(
        _qnorm_kernel,
        out_shape=jax.ShapeDtypeStruct((n, d), jnp.bfloat16),
    )(q)

    sims, bm = pl.pallas_call(
        functools.partial(_simblock_kernel, vocab_size),
        grid=(nb,),
        in_specs=[
            pl.BlockSpec((n, d), lambda j: (0, 0)),
            pl.BlockSpec((BLOCK_V, d), lambda j: (j, 0)),
        ],
        out_specs=[
            pl.BlockSpec((1, n, BLOCK_V), lambda j: (j, 0, 0)),
            pl.BlockSpec((1, n, 1), lambda j: (j, 0, 0)),
        ],
        out_shape=[
            jax.ShapeDtypeStruct((nb, n, BLOCK_V), jnp.float32),
            jax.ShapeDtypeStruct((nb, n, 1), jnp.float32),
        ],
        compiler_params=pltpu.CompilerParams(
            dimension_semantics=("parallel",)),
    )(qn, v)
    bm_t = bm[:, :, 0].T

    sel, rows = pl.pallas_call(
        _blocksel_kernel,
        out_shape=[
            jax.ShapeDtypeStruct((K, n), jnp.int32),
            jax.ShapeDtypeStruct((K, n), jnp.int32),
        ],
    )(bm_t)
    sel_t = sel.T
    rowids = rows.T.reshape(n * K)

    table = sims.reshape(nb * n, BLOCK_V)
    gath = _sc_gather(table, rowids, n)

    nqt = min(n, 64)
    nt = n // (2 * nqt)
    fvals, fidx = pl.pallas_call(
        _final_kernel,
        grid=(2, nt),
        in_specs=[
            pl.BlockSpec((nqt * K, BLOCK_V), lambda h, t: (h * nt + t, 0)),
            pl.BlockSpec((nqt, K), lambda h, t: (h * nt + t, 0)),
        ],
        out_specs=[
            pl.BlockSpec((1, K, nqt), lambda h, t: (h * nt + t, 0, 0)),
            pl.BlockSpec((1, K, nqt), lambda h, t: (h * nt + t, 0, 0)),
        ],
        out_shape=[
            jax.ShapeDtypeStruct((2 * nt, K, nqt), jnp.float32),
            jax.ShapeDtypeStruct((2 * nt, K, nqt), jnp.int32),
        ],
        compiler_params=pltpu.CompilerParams(
            dimension_semantics=("parallel", "arbitrary")),
    )(gath, sel_t)

    fv = fvals.transpose(0, 2, 1).reshape(n, K)
    fi = fidx.transpose(0, 2, 1).reshape(n, K)
    topk_sim = fv.reshape(orig_shape + (K,))
    topk_idx = fi.reshape(orig_shape + (K,))
    token_ids = fi[:, 0].reshape(orig_shape)
    return (token_ids, topk_sim, topk_idx)

# --- scband reference (transcript-rebuilt; emitter-appended) ---
"""Pipeline reference for scband-knnrouter-52347061403861 (READ-ONLY COPY).

The authoritative reference and input builder live on the scoring server;
editing this copy changes nothing except your own understanding.
"""

import jax, jax.numpy as jnp
import numpy as np

K = 8

def _l2_normalize(x, eps=1e-12):
    # Matches torch F.normalize(p=2): divide by max(norm, eps)
    n = jnp.linalg.norm(x, ord=2, axis=-1, keepdims=True)
    return x / jnp.maximum(n, eps)

def setup_inputs(seed: int = 0) -> dict:
    key = jax.random.key(seed)
    k1, k2 = jax.random.split(key)
    embeddings = jax.random.normal(k1, (1024, 128), dtype=jnp.float32)
    vocab_embeddings = jax.random.normal(k2, (100000, 128), dtype=jnp.float32)
    return {"embeddings": embeddings, "vocab_embeddings": vocab_embeddings}

def reference(embeddings, vocab_embeddings):
    # KNNRouter forward with config: k=8, normalize=True (cosine similarity),
    # brute-force torch path (_knn_torch), use_faiss=False.
    orig_shape = embeddings.shape[:-1]
    q = embeddings.reshape(-1, embeddings.shape[-1])
    q_norm = _l2_normalize(q)
    v_norm = _l2_normalize(vocab_embeddings)
    similarities = q_norm @ v_norm.T  # (N, V)
    topk_sim, topk_idx = jax.lax.top_k(similarities, K)  # (N, K) each
    # Hard routing output: nearest token id per query
    token_ids = topk_idx[:, 0].reshape(orig_shape)
    topk_sim = topk_sim.reshape(orig_shape + (K,))
    topk_idx = topk_idx.reshape(orig_shape + (K,))
    return (token_ids, topk_sim, topk_idx)

if __name__ == "__main__":
    import jax
    _d = setup_inputs()
    print(jax.jit(kernel)(*tuple(_d.values())))

</pallas_src>

<mosaic_0001>
#map = affine_map<(d0, d1) -> (0, 0)>
#map1 = affine_map<(d0, d1) -> (0)>
module attributes {stable_mosaic.version = 14 : i64} {
  func.func @gather_kernel(%arg0: i32, %arg1: i32, %arg2: memref<100352x1024xf32, #tpu.memory_space<hbm>>, %arg3: memref<8192xi32, #tpu.memory_space<hbm>>, %arg4: memref<8192x1024xf32, #tpu.memory_space<hbm>>, %arg5: memref<256xi32, #tpu.memory_space<vmem>>, %arg6: memref<16x1024xf32, #tpu.memory_space<vmem>>, %arg7: memref<16x1024xf32, #tpu.memory_space<vmem>>, %arg8: memref<!tpu.dma_semaphore, #tpu.memory_space<semaphore_mem>>, %arg9: memref<!tpu.dma_semaphore, #tpu.memory_space<semaphore_mem>>) attributes {dimension_semantics = [#tpu.dimension_semantics<core_parallel>, #tpu.dimension_semantics<subcore_parallel>], iteration_bounds = array<i64: 2, 16>, scalar_prefetch = 0 : i64, scratch_operands = 5 : i64, tpu.core_type = #tpu.core_type<sc_vector_subcore>, window_params = [{transform_indices = #map}, {transform_indices = #map1}, {transform_indices = #map}]} {
    %mul3A = arith.constant 2 : i32
    %mul3A_0 = arith.muli %arg1, %mul3A : i32
    %add3A = arith.addi %mul3A_0, %arg0 : i32
    %mul3A_1 = arith.constant 256 : i32
    %mul3A_2 = arith.muli %add3A, %mul3A_1 : i32
    "tpu.region"() ({
      %run_scoped3A = tpu.sem_alloc : memref<!tpu.dma_semaphore, #tpu.memory_space<semaphore_mem>>
      %dma_start3A_193 = tpu.memref_slice %arg3[%mul3A_2] : memref<8192xi32, #tpu.memory_space<hbm>> -> memref<256xi32, #tpu.memory_space<hbm>>
      %dma_start3A_194 = tpu.memref_slice %arg3[%mul3A_2] : memref<8192xi32, #tpu.memory_space<hbm>> -> memref<256xi32, #tpu.memory_space<hbm>>
      tpu.enqueue_dma source(%dma_start3A_194 : memref<256xi32, #tpu.memory_space<hbm>>) target(%arg5 : memref<256xi32, #tpu.memory_space<vmem>>) target_semaphore(%run_scoped3A : memref<!tpu.dma_semaphore, #tpu.memory_space<semaphore_mem>>)
      %dma_wait3A_195 = tpu.memref_slice %arg3[%mul3A_2] : memref<8192xi32, #tpu.memory_space<hbm>> -> memref<256xi32, #tpu.memory_space<hbm>>
      %dma_wait3A_196 = tpu.memref_slice %arg3[%mul3A_2] : memref<8192xi32, #tpu.memory_space<hbm>> -> memref<256xi32, #tpu.memory_space<hbm>>
      tpu.wait_dma2 semaphore(%run_scoped3A : memref<!tpu.dma_semaphore, #tpu.memory_space<semaphore_mem>>) src(%dma_wait3A_196 : memref<256xi32, #tpu.memory_space<hbm>>) dst(%arg5 : memref<256xi32, #tpu.memory_space<vmem>>)
      tpu.yield
    }) : () -> ()
    %dma_start3A = arith.constant 0 : i32
    %dma_start3A_3 = tpu.memref_slice %arg5[%dma_start3A] : memref<256xi32, #tpu.memory_space<vmem>> -> memref<16xi32, #tpu.memory_space<vmem>>
    %dma_start3A_4 = arith.constant 0 : i32
    %dma_start3A_5 = arith.constant 0 : i32
    %dma_start3A_6 = tpu.memref_slice %arg2[%dma_start3A_4, %dma_start3A_5] : memref<100352x1024xf32, #tpu.memory_space<hbm>> -> memref<100352x1024xf32, #tpu.memory_space<hbm>>
    tpu.enqueue_indirect_dma source(%dma_start3A_6 : memref<100352x1024xf32, #tpu.memory_space<hbm>>) target(%arg6 : memref<16x1024xf32, #tpu.memory_space<vmem>>) offsets(%dma_start3A_3 : memref<16xi32, #tpu.memory_space<vmem>>) semaphore(%arg8 : memref<!tpu.dma_semaphore, #tpu.memory_space<semaphore_mem>>)
    %dma_start3A_7 = arith.constant 16 : i32
    %dma_start3A_8 = tpu.memref_slice %arg5[%dma_start3A_7] : memref<256xi32, #tpu.memory_space<vmem>> -> memref<16xi32, #tpu.memory_space<vmem>>
    %dma_start3A_9 = arith.constant 0 : i32
    %dma_start3A_10 = arith.constant 0 : i32
    %dma_start3A_11 = tpu.memref_slice %arg2[%dma_start3A_9, %dma_start3A_10] : memref<100352x1024xf32, #tpu.memory_space<hbm>> -> memref<100352x1024xf32, #tpu.memory_space<hbm>>
    tpu.enqueue_indirect_dma source(%dma_start3A_11 : memref<100352x1024xf32, #tpu.memory_space<hbm>>) target(%arg7 : memref<16x1024xf32, #tpu.memory_space<vmem>>) offsets(%dma_start3A_8 : memref<16xi32, #tpu.memory_space<vmem>>) semaphore(%arg9 : memref<!tpu.dma_semaphore, #tpu.memory_space<semaphore_mem>>)
    %dma_wait3A = arith.constant 0 : i32
    %dma_wait3A_12 = tpu.memref_slice %arg5[%dma_wait3A] : memref<256xi32, #tpu.memory_space<vmem>> -> memref<16xi32, #tpu.memory_space<vmem>>
    %dma_wait3A_13 = arith.constant 0 : i32
    %dma_wait3A_14 = arith.constant 0 : i32
    %dma_wait3A_15 = tpu.memref_slice %arg2[%dma_wait3A_13, %dma_wait3A_14] : memref<100352x1024xf32, #tpu.memory_space<hbm>> -> memref<100352x1024xf32, #tpu.memory_space<hbm>>
    tpu.wait_indirect_dma semaphore(%arg8 : memref<!tpu.dma_semaphore, #tpu.memory_space<semaphore_mem>>) src(%dma_wait3A_15 : memref<100352x1024xf32, #tpu.memory_space<hbm>>) dst(%arg6 : memref<16x1024xf32, #tpu.memory_space<vmem>>)
    %add3A_16 = arith.constant 0 : i32
    %add3A_17 = arith.addi %mul3A_2, %add3A_16 : i32
    "tpu.region"() ({
      %run_scoped3A = tpu.sem_alloc : memref<!tpu.dma_semaphore, #tpu.memory_space<semaphore_mem>>
      %dma_start3A_193 = arith.constant 0 : i32
      %dma_start3A_194 = tpu.memref_slice %arg4[%add3A_17, %dma_start3A_193] : memref<8192x1024xf32, #tpu.memory_space<hbm>> -> memref<16x1024xf32, #tpu.memory_space<hbm>>
      %dma_start3A_195 = arith.constant 0 : i32
      %dma_start3A_196 = tpu.memref_slice %arg4[%add3A_17, %dma_start3A_195] : memref<8192x1024xf32, #tpu.memory_space<hbm>> -> memref<16x1024xf32, #tpu.memory_space<hbm>>
      tpu.enqueue_dma source(%arg6 : memref<16x1024xf32, #tpu.memory_space<vmem>>) target(%dma_start3A_196 : memref<16x1024xf32, #tpu.memory_space<hbm>>) target_semaphore(%run_scoped3A : memref<!tpu.dma_semaphore, #tpu.memory_space<semaphore_mem>>)
      %dma_wait3A_197 = arith.constant 0 : i32
      %dma_wait3A_198 = tpu.memref_slice %arg4[%add3A_17, %dma_wait3A_197] : memref<8192x1024xf32, #tpu.memory_space<hbm>> -> memref<16x1024xf32, #tpu.memory_space<hbm>>
      %dma_wait3A_199 = arith.constant 0 : i32
      %dma_wait3A_200 = tpu.memref_slice %arg4[%add3A_17, %dma_wait3A_199] : memref<8192x1024xf32, #tpu.memory_space<hbm>> -> memref<16x1024xf32, #tpu.memory_space<hbm>>
      tpu.wait_dma2 semaphore(%run_scoped3A : memref<!tpu.dma_semaphore, #tpu.memory_space<semaphore_mem>>) src(%arg6 : memref<16x1024xf32, #tpu.memory_space<vmem>>) dst(%dma_wait3A_200 : memref<16x1024xf32, #tpu.memory_space<hbm>>)
      tpu.yield
    }) : () -> ()
    %dma_start3A_18 = arith.constant 32 : i32
    %dma_start3A_19 = tpu.memref_slice %arg5[%dma_start3A_18] : memref<256xi32, #tpu.memory_space<vmem>> -> memref<16xi32, #tpu.memory_space<vmem>>
    %dma_start3A_20 = arith.constant 0 : i32
    %dma_start3A_21 = arith.constant 0 : i32
    %dma_start3A_22 = tpu.memref_slice %arg2[%dma_start3A_20, %dma_start3A_21] : memref<100352x1024xf32, #tpu.memory_space<hbm>> -> memref<100352x1024xf32, #tpu.memory_space<hbm>>
    tpu.enqueue_indirect_dma source(%dma_start3A_22 : memref<100352x1024xf32, #tpu.memory_space<hbm>>) target(%arg6 : memref<16x1024xf32, #tpu.memory_space<vmem>>) offsets(%dma_start3A_19 : memref<16xi32, #tpu.memory_space<vmem>>) semaphore(%arg8 : memref<!tpu.dma_semaphore, #tpu.memory_space<semaphore_mem>>)
    %dma_wait3A_23 = arith.constant 16 : i32
    %dma_wait3A_24 = tpu.memref_slice %arg5[%dma_wait3A_23] : memref<256xi32, #tpu.memory_space<vmem>> -> memref<16xi32, #tpu.memory_space<vmem>>
    %dma_wait3A_25 = arith.constant 0 : i32
    %dma_wait3A_26 = arith.constant 0 : i32
    %dma_wait3A_27 = tpu.memref_slice %arg2[%dma_wait3A_25, %dma_wait3A_26] : memref<100352x1024xf32, #tpu.memory_space<hbm>> -> memref<100352x1024xf32, #tpu.memory_space<hbm>>
    tpu.wait_indirect_dma semaphore(%arg9 : memref<!tpu.dma_semaphore, #tpu.memory_space<semaphore_mem>>) src(%dma_wait3A_27 : memref<100352x1024xf32, #tpu.memory_space<hbm>>) dst(%arg7 : memref<16x1024xf32, #tpu.memory_space<vmem>>)
    %add3A_28 = arith.constant 16 : i32
    %add3A_29 = arith.addi %mul3A_2, %add3A_28 : i32
    "tpu.region"() ({
      %run_scoped3A = tpu.sem_alloc : memref<!tpu.dma_semaphore, #tpu.memory_space<semaphore_mem>>
      %dma_start3A_193 = arith.constant 0 : i32
      %dma_start3A_194 = tpu.memref_slice %arg4[%add3A_29, %dma_start3A_193] : memref<8192x1024xf32, #tpu.memory_space<hbm>> -> memref<16x1024xf32, #tpu.memory_space<hbm>>
      %dma_start3A_195 = arith.constant 0 : i32
      %dma_start3A_196 = tpu.memref_slice %arg4[%add3A_29, %dma_start3A_195] : memref<8192x1024xf32, #tpu.memory_space<hbm>> -> memref<16x1024xf32, #tpu.memory_space<hbm>>
      tpu.enqueue_dma source(%arg7 : memref<16x1024xf32, #tpu.memory_space<vmem>>) target(%dma_start3A_196 : memref<16x1024xf32, #tpu.memory_space<hbm>>) target_semaphore(%run_scoped3A : memref<!tpu.dma_semaphore, #tpu.memory_space<semaphore_mem>>)
      %dma_wait3A_197 = arith.constant 0 : i32
      %dma_wait3A_198 = tpu.memref_slice %arg4[%add3A_29, %dma_wait3A_197] : memref<8192x1024xf32, #tpu.memory_space<hbm>> -> memref<16x1024xf32, #tpu.memory_space<hbm>>
      %dma_wait3A_199 = arith.constant 0 : i32
      %dma_wait3A_200 = tpu.memref_slice %arg4[%add3A_29, %dma_wait3A_199] : memref<8192x1024xf32, #tpu.memory_space<hbm>> -> memref<16x1024xf32, #tpu.memory_space<hbm>>
      tpu.wait_dma2 semaphore(%run_scoped3A : memref<!tpu.dma_semaphore, #tpu.memory_space<semaphore_mem>>) src(%arg7 : memref<16x1024xf32, #tpu.memory_space<vmem>>) dst(%dma_wait3A_200 : memref<16x1024xf32, #tpu.memory_space<hbm>>)
      tpu.yield
    }) : () -> ()
    %dma_start3A_30 = arith.constant 48 : i32
    %dma_start3A_31 = tpu.memref_slice %arg5[%dma_start3A_30] : memref<256xi32, #tpu.memory_space<vmem>> -> memref<16xi32, #tpu.memory_space<vmem>>
    %dma_start3A_32 = arith.constant 0 : i32
    %dma_start3A_33 = arith.constant 0 : i32
    %dma_start3A_34 = tpu.memref_slice %arg2[%dma_start3A_32, %dma_start3A_33] : memref<100352x1024xf32, #tpu.memory_space<hbm>> -> memref<100352x1024xf32, #tpu.memory_space<hbm>>
    tpu.enqueue_indirect_dma source(%dma_start3A_34 : memref<100352x1024xf32, #tpu.memory_space<hbm>>) target(%arg7 : memref<16x1024xf32, #tpu.memory_space<vmem>>) offsets(%dma_start3A_31 : memref<16xi32, #tpu.memory_space<vmem>>) semaphore(%arg9 : memref<!tpu.dma_semaphore, #tpu.memory_space<semaphore_mem>>)
    %dma_wait3A_35 = arith.constant 32 : i32
    %dma_wait3A_36 = tpu.memref_slice %arg5[%dma_wait3A_35] : memref<256xi32, #tpu.memory_space<vmem>> -> memref<16xi32, #tpu.memory_space<vmem>>
    %dma_wait3A_37 = arith.constant 0 : i32
    %dma_wait3A_38 = arith.constant 0 : i32
    %dma_wait3A_39 = tpu.memref_slice %arg2[%dma_wait3A_37, %dma_wait3A_38] : memref<100352x1024xf32, #tpu.memory_space<hbm>> -> memref<100352x1024xf32, #tpu.memory_space<hbm>>
    tpu.wait_indirect_dma semaphore(%arg8 : memref<!tpu.dma_semaphore, #tpu.memory_space<semaphore_mem>>) src(%dma_wait3A_39 : memref<100352x1024xf32, #tpu.memory_space<hbm>>) dst(%arg6 : memref<16x1024xf32, #tpu.memory_space<vmem>>)
    %add3A_40 = arith.constant 32 : i32
    %add3A_41 = arith.addi %mul3A_2, %add3A_40 : i32
    "tpu.region"() ({
      %run_scoped3A = tpu.sem_alloc : memref<!tpu.dma_semaphore, #tpu.memory_space<semaphore_mem>>
      %dma_start3A_193 = arith.constant 0 : i32
      %dma_start3A_194 = tpu.memref_slice %arg4[%add3A_41, %dma_start3A_193] : memref<8192x1024xf32, #tpu.memory_space<hbm>> -> memref<16x1024xf32, #tpu.memory_space<hbm>>
      %dma_start3A_195 = arith.constant 0 : i32
      %dma_start3A_196 = tpu.memref_slice %arg4[%add3A_41, %dma_start3A_195] : memref<8192x1024xf32, #tpu.memory_space<hbm>> -> memref<16x1024xf32, #tpu.memory_space<hbm>>
      tpu.enqueue_dma source(%arg6 : memref<16x1024xf32, #tpu.memory_space<vmem>>) target(%dma_start3A_196 : memref<16x1024xf32, #tpu.memory_space<hbm>>) target_semaphore(%run_scoped3A : memref<!tpu.dma_semaphore, #tpu.memory_space<semaphore_mem>>)
      %dma_wait3A_197 = arith.constant 0 : i32
      %dma_wait3A_198 = tpu.memref_slice %arg4[%add3A_41, %dma_wait3A_197] : memref<8192x1024xf32, #tpu.memory_space<hbm>> -> memref<16x1024xf32, #tpu.memory_space<hbm>>
      %dma_wait3A_199 = arith.constant 0 : i32
      %dma_wait3A_200 = tpu.memref_slice %arg4[%add3A_41, %dma_wait3A_199] : memref<8192x1024xf32, #tpu.memory_space<hbm>> -> memref<16x1024xf32, #tpu.memory_space<hbm>>
      tpu.wait_dma2 semaphore(%run_scoped3A : memref<!tpu.dma_semaphore, #tpu.memory_space<semaphore_mem>>) src(%arg6 : memref<16x1024xf32, #tpu.memory_space<vmem>>) dst(%dma_wait3A_200 : memref<16x1024xf32, #tpu.memory_space<hbm>>)
      tpu.yield
    }) : () -> ()
    %dma_start3A_42 = arith.constant 64 : i32
    %dma_start3A_43 = tpu.memref_slice %arg5[%dma_start3A_42] : memref<256xi32, #tpu.memory_space<vmem>> -> memref<16xi32, #tpu.memory_space<vmem>>
    %dma_start3A_44 = arith.constant 0 : i32
    %dma_start3A_45 = arith.constant 0 : i32
    %dma_start3A_46 = tpu.memref_slice %arg2[%dma_start3A_44, %dma_start3A_45] : memref<100352x1024xf32, #tpu.memory_space<hbm>> -> memref<100352x1024xf32, #tpu.memory_space<hbm>>
    tpu.enqueue_indirect_dma source(%dma_start3A_46 : memref<100352x1024xf32, #tpu.memory_space<hbm>>) target(%arg6 : memref<16x1024xf32, #tpu.memory_space<vmem>>) offsets(%dma_start3A_43 : memref<16xi32, #tpu.memory_space<vmem>>) semaphore(%arg8 : memref<!tpu.dma_semaphore, #tpu.memory_space<semaphore_mem>>)
    %dma_wait3A_47 = arith.constant 48 : i32
    %dma_wait3A_48 = tpu.memref_slice %arg5[%dma_wait3A_47] : memref<256xi32, #tpu.memory_space<vmem>> -> memref<16xi32, #tpu.memory_space<vmem>>
    %dma_wait3A_49 = arith.constant 0 : i32
    %dma_wait3A_50 = arith.constant 0 : i32
    %dma_wait3A_51 = tpu.memref_slice %arg2[%dma_wait3A_49, %dma_wait3A_50] : memref<100352x1024xf32, #tpu.memory_space<hbm>> -> memref<100352x1024xf32, #tpu.memory_space<hbm>>
    tpu.wait_indirect_dma semaphore(%arg9 : memref<!tpu.dma_semaphore, #tpu.memory_space<semaphore_mem>>) src(%dma_wait3A_51 : memref<100352x1024xf32, #tpu.memory_space<hbm>>) dst(%arg7 : memref<16x1024xf32, #tpu.memory_space<vmem>>)
    %add3A_52 = arith.constant 48 : i32
    %add3A_53 = arith.addi %mul3A_2, %add3A_52 : i32
    "tpu.region"() ({
      %run_scoped3A = tpu.sem_alloc : memref<!tpu.dma_semaphore, #tpu.memory_space<semaphore_mem>>
      %dma_start3A_193 = arith.constant 0 : i32
      %dma_start3A_194 = tpu.memref_slice %arg4[%add3A_53, %dma_start3A_193] : memref<8192x1024xf32, #tpu.memory_space<hbm>> -> memref<16x1024xf32, #tpu.memory_space<hbm>>
      %dma_start3A_195 = arith.constant 0 : i32
      %dma_start3A_196 = tpu.memref_slice %arg4[%add3A_53, %dma_start3A_195] : memref<8192x1024xf32, #tpu.memory_space<hbm>> -> memref<16x1024xf32, #tpu.memory_space<hbm>>
      tpu.enqueue_dma source(%arg7 : memref<16x1024xf32, #tpu.memory_space<vmem>>) target(%dma_start3A_196 : memref<16x1024xf32, #tpu.memory_space<hbm>>) target_semaphore(%run_scoped3A : memref<!tpu.dma_semaphore, #tpu.memory_space<semaphore_mem>>)
      %dma_wait3A_197 = arith.constant 0 : i32
      %dma_wait3A_198 = tpu.memref_slice %arg4[%add3A_53, %dma_wait3A_197] : memref<8192x1024xf32, #tpu.memory_space<hbm>> -> memref<16x1024xf32, #tpu.memory_space<hbm>>
      %dma_wait3A_199 = arith.constant 0 : i32
      %dma_wait3A_200 = tpu.memref_slice %arg4[%add3A_53, %dma_wait3A_199] : memref<8192x1024xf32, #tpu.memory_space<hbm>> -> memref<16x1024xf32, #tpu.memory_space<hbm>>
      tpu.wait_dma2 semaphore(%run_scoped3A : memref<!tpu.dma_semaphore, #tpu.memory_space<semaphore_mem>>) src(%arg7 : memref<16x1024xf32, #tpu.memory_space<vmem>>) dst(%dma_wait3A_200 : memref<16x1024xf32, #tpu.memory_space<hbm>>)
      tpu.yield
    }) : () -> ()
    %dma_start3A_54 = arith.constant 80 : i32
    %dma_start3A_55 = tpu.memref_slice %arg5[%dma_start3A_54] : memref<256xi32, #tpu.memory_space<vmem>> -> memref<16xi32, #tpu.memory_space<vmem>>
    %dma_start3A_56 = arith.constant 0 : i32
    %dma_start3A_57 = arith.constant 0 : i32
    %dma_start3A_58 = tpu.memref_slice %arg2[%dma_start3A_56, %dma_start3A_57] : memref<100352x1024xf32, #tpu.memory_space<hbm>> -> memref<100352x1024xf32, #tpu.memory_space<hbm>>
    tpu.enqueue_indirect_dma source(%dma_start3A_58 : memref<100352x1024xf32, #tpu.memory_space<hbm>>) target(%arg7 : memref<16x1024xf32, #tpu.memory_space<vmem>>) offsets(%dma_start3A_55 : memref<16xi32, #tpu.memory_space<vmem>>) semaphore(%arg9 : memref<!tpu.dma_semaphore, #tpu.memory_space<semaphore_mem>>)
    %dma_wait3A_59 = arith.constant 64 : i32
    %dma_wait3A_60 = tpu.memref_slice %arg5[%dma_wait3A_59] : memref<256xi32, #tpu.memory_space<vmem>> -> memref<16xi32, #tpu.memory_space<vmem>>
    %dma_wait3A_61 = arith.constant 0 : i32
    %dma_wait3A_62 = arith.constant 0 : i32
    %dma_wait3A_63 = tpu.memref_slice %arg2[%dma_wait3A_61, %dma_wait3A_62] : memref<100352x1024xf32, #tpu.memory_space<hbm>> -> memref<100352x1024xf32, #tpu.memory_space<hbm>>
    tpu.wait_indirect_dma semaphore(%arg8 : memref<!tpu.dma_semaphore, #tpu.memory_space<semaphore_mem>>) src(%dma_wait3A_63 : memref<100352x1024xf32, #tpu.memory_space<hbm>>) dst(%arg6 : memref<16x1024xf32, #tpu.memory_space<vmem>>)
    %add3A_64 = arith.constant 64 : i32
    %add3A_65 = arith.addi %mul3A_2, %add3A_64 : i32
    "tpu.region"() ({
      %run_scoped3A = tpu.sem_alloc : memref<!tpu.dma_semaphore, #tpu.memory_space<semaphore_mem>>
      %dma_start3A_193 = arith.constant 0 : i32
      %dma_start3A_194 = tpu.memref_slice %arg4[%add3A_65, %dma_start3A_193] : memref<8192x1024xf32, #tpu.memory_space<hbm>> -> memref<16x1024xf32, #tpu.memory_space<hbm>>
      %dma_start3A_195 = arith.constant 0 : i32
      %dma_start3A_196 = tpu.memref_slice %arg4[%add3A_65, %dma_start3A_195] : memref<8192x1024xf32, #tpu.memory_space<hbm>> -> memref<16x1024xf32, #tpu.memory_space<hbm>>
      tpu.enqueue_dma source(%arg6 : memref<16x1024xf32, #tpu.memory_space<vmem>>) target(%dma_start3A_196 : memref<16x1024xf32, #tpu.memory_space<hbm>>) target_semaphore(%run_scoped3A : memref<!tpu.dma_semaphore, #tpu.memory_space<semaphore_mem>>)
      %dma_wait3A_197 = arith.constant 0 : i32
      %dma_wait3A_198 = tpu.memref_slice %arg4[%add3A_65, %dma_wait3A_197] : memref<8192x1024xf32, #tpu.memory_space<hbm>> -> memref<16x1024xf32, #tpu.memory_space<hbm>>
      %dma_wait3A_199 = arith.constant 0 : i32
      %dma_wait3A_200 = tpu.memref_slice %arg4[%add3A_65, %dma_wait3A_199] : memref<8192x1024xf32, #tpu.memory_space<hbm>> -> memref<16x1024xf32, #tpu.memory_space<hbm>>
      tpu.wait_dma2 semaphore(%run_scoped3A : memref<!tpu.dma_semaphore, #tpu.memory_space<semaphore_mem>>) src(%arg6 : memref<16x1024xf32, #tpu.memory_space<vmem>>) dst(%dma_wait3A_200 : memref<16x1024xf32, #tpu.memory_space<hbm>>)
      tpu.yield
    }) : () -> ()
    %dma_start3A_66 = arith.constant 96 : i32
    %dma_start3A_67 = tpu.memref_slice %arg5[%dma_start3A_66] : memref<256xi32, #tpu.memory_space<vmem>> -> memref<16xi32, #tpu.memory_space<vmem>>
    %dma_start3A_68 = arith.constant 0 : i32
    %dma_start3A_69 = arith.constant 0 : i32
    %dma_start3A_70 = tpu.memref_slice %arg2[%dma_start3A_68, %dma_start3A_69] : memref<100352x1024xf32, #tpu.memory_space<hbm>> -> memref<100352x1024xf32, #tpu.memory_space<hbm>>
    tpu.enqueue_indirect_dma source(%dma_start3A_70 : memref<100352x1024xf32, #tpu.memory_space<hbm>>) target(%arg6 : memref<16x1024xf32, #tpu.memory_space<vmem>>) offsets(%dma_start3A_67 : memref<16xi32, #tpu.memory_space<vmem>>) semaphore(%arg8 : memref<!tpu.dma_semaphore, #tpu.memory_space<semaphore_mem>>)
    %dma_wait3A_71 = arith.constant 80 : i32
    %dma_wait3A_72 = tpu.memref_slice %arg5[%dma_wait3A_71] : memref<256xi32, #tpu.memory_space<vmem>> -> memref<16xi32, #tpu.memory_space<vmem>>
    %dma_wait3A_73 = arith.constant 0 : i32
    %dma_wait3A_74 = arith.constant 0 : i32
    %dma_wait3A_75 = tpu.memref_slice %arg2[%dma_wait3A_73, %dma_wait3A_74] : memref<100352x1024xf32, #tpu.memory_space<hbm>> -> memref<100352x1024xf32, #tpu.memory_space<hbm>>
    tpu.wait_indirect_dma semaphore(%arg9 : memref<!tpu.dma_semaphore, #tpu.memory_space<semaphore_mem>>) src(%dma_wait3A_75 : memref<100352x1024xf32, #tpu.memory_space<hbm>>) dst(%arg7 : memref<16x1024xf32, #tpu.memory_space<vmem>>)
    %add3A_76 = arith.constant 80 : i32
    %add3A_77 = arith.addi %mul3A_2, %add3A_76 : i32
    "tpu.region"() ({
      %run_scoped3A = tpu.sem_alloc : memref<!tpu.dma_semaphore, #tpu.memory_space<semaphore_mem>>
      %dma_start3A_193 = arith.constant 0 : i32
      %dma_start3A_194 = tpu.memref_slice %arg4[%add3A_77, %dma_start3A_193] : memref<8192x1024xf32, #tpu.memory_space<hbm>> -> memref<16x1024xf32, #tpu.memory_space<hbm>>
      %dma_start3A_195 = arith.constant 0 : i32
      %dma_start3A_196 = tpu.memref_slice %arg4[%add3A_77, %dma_start3A_195] : memref<8192x1024xf32, #tpu.memory_space<hbm>> -> memref<16x1024xf32, #tpu.memory_space<hbm>>
      tpu.enqueue_dma source(%arg7 : memref<16x1024xf32, #tpu.memory_space<vmem>>) target(%dma_start3A_196 : memref<16x1024xf32, #tpu.memory_space<hbm>>) target_semaphore(%run_scoped3A : memref<!tpu.dma_semaphore, #tpu.memory_space<semaphore_mem>>)
      %dma_wait3A_197 = arith.constant 0 : i32
      %dma_wait3A_198 = tpu.memref_slice %arg4[%add3A_77, %dma_wait3A_197] : memref<8192x1024xf32, #tpu.memory_space<hbm>> -> memref<16x1024xf32, #tpu.memory_space<hbm>>
      %dma_wait3A_199 = arith.constant 0 : i32
      %dma_wait3A_200 = tpu.memref_slice %arg4[%add3A_77, %dma_wait3A_199] : memref<8192x1024xf32, #tpu.memory_space<hbm>> -> memref<16x1024xf32, #tpu.memory_space<hbm>>
      tpu.wait_dma2 semaphore(%run_scoped3A : memref<!tpu.dma_semaphore, #tpu.memory_space<semaphore_mem>>) src(%arg7 : memref<16x1024xf32, #tpu.memory_space<vmem>>) dst(%dma_wait3A_200 : memref<16x1024xf32, #tpu.memory_space<hbm>>)
      tpu.yield
    }) : () -> ()
    %dma_start3A_78 = arith.constant 112 : i32
    %dma_start3A_79 = tpu.memref_slice %arg5[%dma_start3A_78] : memref<256xi32, #tpu.memory_space<vmem>> -> memref<16xi32, #tpu.memory_space<vmem>>
    %dma_start3A_80 = arith.constant 0 : i32
    %dma_start3A_81 = arith.constant 0 : i32
    %dma_start3A_82 = tpu.memref_slice %arg2[%dma_start3A_80, %dma_start3A_81] : memref<100352x1024xf32, #tpu.memory_space<hbm>> -> memref<100352x1024xf32, #tpu.memory_space<hbm>>
    tpu.enqueue_indirect_dma source(%dma_start3A_82 : memref<100352x1024xf32, #tpu.memory_space<hbm>>) target(%arg7 : memref<16x1024xf32, #tpu.memory_space<vmem>>) offsets(%dma_start3A_79 : memref<16xi32, #tpu.memory_space<vmem>>) semaphore(%arg9 : memref<!tpu.dma_semaphore, #tpu.memory_space<semaphore_mem>>)
    %dma_wait3A_83 = arith.constant 96 : i32
    %dma_wait3A_84 = tpu.memref_slice %arg5[%dma_wait3A_83] : memref<256xi32, #tpu.memory_space<vmem>> -> memref<16xi32, #tpu.memory_space<vmem>>
    %dma_wait3A_85 = arith.constant 0 : i32
    %dma_wait3A_86 = arith.constant 0 : i32
    %dma_wait3A_87 = tpu.memref_slice %arg2[%dma_wait3A_85, %dma_wait3A_86] : memref<100352x1024xf32, #tpu.memory_space<hbm>> -> memref<100352x1024xf32, #tpu.memory_space<hbm>>
    tpu.wait_indirect_dma semaphore(%arg8 : memref<!tpu.dma_semaphore, #tpu.memory_space<semaphore_mem>>) src(%dma_wait3A_87 : memref<100352x1024xf32, #tpu.memory_space<hbm>>) dst(%arg6 : memref<16x1024xf32, #tpu.memory_space<vmem>>)
    %add3A_88 = arith.constant 96 : i32
    %add3A_89 = arith.addi %mul3A_2, %add3A_88 : i32
    "tpu.region"() ({
      %run_scoped3A = tpu.sem_alloc : memref<!tpu.dma_semaphore, #tpu.memory_space<semaphore_mem>>
      %dma_start3A_193 = arith.constant 0 : i32
      %dma_start3A_194 = tpu.memref_slice %arg4[%add3A_89, %dma_start3A_193] : memref<8192x1024xf32, #tpu.memory_space<hbm>> -> memref<16x1024xf32, #tpu.memory_space<hbm>>
      %dma_start3A_195 = arith.constant 0 : i32
      %dma_start3A_196 = tpu.memref_slice %arg4[%add3A_89, %dma_start3A_195] : memref<8192x1024xf32, #tpu.memory_space<hbm>> -> memref<16x1024xf32, #tpu.memory_space<hbm>>
      tpu.enqueue_dma source(%arg6 : memref<16x1024xf32, #tpu.memory_space<vmem>>) target(%dma_start3A_196 : memref<16x1024xf32, #tpu.memory_space<hbm>>) target_semaphore(%run_scoped3A : memref<!tpu.dma_semaphore, #tpu.memory_space<semaphore_mem>>)
      %dma_wait3A_197 = arith.constant 0 : i32
      %dma_wait3A_198 = tpu.memref_slice %arg4[%add3A_89, %dma_wait3A_197] : memref<8192x1024xf32, #tpu.memory_space<hbm>> -> memref<16x1024xf32, #tpu.memory_space<hbm>>
      %dma_wait3A_199 = arith.constant 0 : i32
      %dma_wait3A_200 = tpu.memref_slice %arg4[%add3A_89, %dma_wait3A_199] : memref<8192x1024xf32, #tpu.memory_space<hbm>> -> memref<16x1024xf32, #tpu.memory_space<hbm>>
      tpu.wait_dma2 semaphore(%run_scoped3A : memref<!tpu.dma_semaphore, #tpu.memory_space<semaphore_mem>>) src(%arg6 : memref<16x1024xf32, #tpu.memory_space<vmem>>) dst(%dma_wait3A_200 : memref<16x1024xf32, #tpu.memory_space<hbm>>)
      tpu.yield
    }) : () -> ()
    %dma_start3A_90 = arith.constant 128 : i32
    %dma_start3A_91 = tpu.memref_slice %arg5[%dma_start3A_90] : memref<256xi32, #tpu.memory_space<vmem>> -> memref<16xi32, #tpu.memory_space<vmem>>
    %dma_start3A_92 = arith.constant 0 : i32
    %dma_start3A_93 = arith.constant 0 : i32
    %dma_start3A_94 = tpu.memref_slice %arg2[%dma_start3A_92, %dma_start3A_93] : memref<100352x1024xf32, #tpu.memory_space<hbm>> -> memref<100352x1024xf32, #tpu.memory_space<hbm>>
    tpu.enqueue_indirect_dma source(%dma_start3A_94 : memref<100352x1024xf32, #tpu.memory_space<hbm>>) target(%arg6 : memref<16x1024xf32, #tpu.memory_space<vmem>>) offsets(%dma_start3A_91 : memref<16xi32, #tpu.memory_space<vmem>>) semaphore(%arg8 : memref<!tpu.dma_semaphore, #tpu.memory_space<semaphore_mem>>)
    %dma_wait3A_95 = arith.constant 112 : i32
    %dma_wait3A_96 = tpu.memref_slice %arg5[%dma_wait3A_95] : memref<256xi32, #tpu.memory_space<vmem>> -> memref<16xi32, #tpu.memory_space<vmem>>
    %dma_wait3A_97 = arith.constant 0 : i32
    %dma_wait3A_98 = arith.constant 0 : i32
    %dma_wait3A_99 = tpu.memref_slice %arg2[%dma_wait3A_97, %dma_wait3A_98] : memref<100352x1024xf32, #tpu.memory_space<hbm>> -> memref<100352x1024xf32, #tpu.memory_space<hbm>>
    tpu.wait_indirect_dma semaphore(%arg9 : memref<!tpu.dma_semaphore, #tpu.memory_space<semaphore_mem>>) src(%dma_wait3A_99 : memref<100352x1024xf32, #tpu.memory_space<hbm>>) dst(%arg7 : memref<16x1024xf32, #tpu.memory_space<vmem>>)
    %add3A_100 = arith.constant 112 : i32
    %add3A_101 = arith.addi %mul3A_2, %add3A_100 : i32
    "tpu.region"() ({
      %run_scoped3A = tpu.sem_alloc : memref<!tpu.dma_semaphore, #tpu.memory_space<semaphore_mem>>
      %dma_start3A_193 = arith.constant 0 : i32
      %dma_start3A_194 = tpu.memref_slice %arg4[%add3A_101, %dma_start3A_193] : memref<8192x1024xf32, #tpu.memory_space<hbm>> -> memref<16x1024xf32, #tpu.memory_space<hbm>>
      %dma_start3A_195 = arith.constant 0 : i32
      %dma_start3A_196 = tpu.memref_slice %arg4[%add3A_101, %dma_start3A_195] : memref<8192x1024xf32, #tpu.memory_space<hbm>> -> memref<16x1024xf32, #tpu.memory_space<hbm>>
      tpu.enqueue_dma source(%arg7 : memref<16x1024xf32, #tpu.memory_space<vmem>>) target(%dma_start3A_196 : memref<16x1024xf32, #tpu.memory_space<hbm>>) target_semaphore(%run_scoped3A : memref<!tpu.dma_semaphore, #tpu.memory_space<semaphore_mem>>)
      %dma_wait3A_197 = arith.constant 0 : i32
      %dma_wait3A_198 = tpu.memref_slice %arg4[%add3A_101, %dma_wait3A_197] : memref<8192x1024xf32, #tpu.memory_space<hbm>> -> memref<16x1024xf32, #tpu.memory_space<hbm>>
      %dma_wait3A_199 = arith.constant 0 : i32
      %dma_wait3A_200 = tpu.memref_slice %arg4[%add3A_101, %dma_wait3A_199] : memref<8192x1024xf32, #tpu.memory_space<hbm>> -> memref<16x1024xf32, #tpu.memory_space<hbm>>
      tpu.wait_dma2 semaphore(%run_scoped3A : memref<!tpu.dma_semaphore, #tpu.memory_space<semaphore_mem>>) src(%arg7 : memref<16x1024xf32, #tpu.memory_space<vmem>>) dst(%dma_wait3A_200 : memref<16x1024xf32, #tpu.memory_space<hbm>>)
      tpu.yield
    }) : () -> ()
    %dma_start3A_102 = arith.constant 144 : i32
    %dma_start3A_103 = tpu.memref_slice %arg5[%dma_start3A_102] : memref<256xi32, #tpu.memory_space<vmem>> -> memref<16xi32, #tpu.memory_space<vmem>>
    %dma_start3A_104 = arith.constant 0 : i32
    %dma_start3A_105 = arith.constant 0 : i32
    %dma_start3A_106 = tpu.memref_slice %arg2[%dma_start3A_104, %dma_start3A_105] : memref<100352x1024xf32, #tpu.memory_space<hbm>> -> memref<100352x1024xf32, #tpu.memory_space<hbm>>
    tpu.enqueue_indirect_dma source(%dma_start3A_106 : memref<100352x1024xf32, #tpu.memory_space<hbm>>) target(%arg7 : memref<16x1024xf32, #tpu.memory_space<vmem>>) offsets(%dma_start3A_103 : memref<16xi32, #tpu.memory_space<vmem>>) semaphore(%arg9 : memref<!tpu.dma_semaphore, #tpu.memory_space<semaphore_mem>>)
    %dma_wait3A_107 = arith.constant 128 : i32
    %dma_wait3A_108 = tpu.memref_slice %arg5[%dma_wait3A_107] : memref<256xi32, #tpu.memory_space<vmem>> -> memref<16xi32, #tpu.memory_space<vmem>>
    %dma_wait3A_109 = arith.constant 0 : i32
    %dma_wait3A_110 = arith.constant 0 : i32
    %dma_wait3A_111 = tpu.memref_slice %arg2[%dma_wait3A_109, %dma_wait3A_110] : memref<100352x1024xf32, #tpu.memory_space<hbm>> -> memref<100352x1024xf32, #tpu.memory_space<hbm>>
    tpu.wait_indirect_dma semaphore(%arg8 : memref<!tpu.dma_semaphore, #tpu.memory_space<semaphore_mem>>) src(%dma_wait3A_111 : memref<100352x1024xf32, #tpu.memory_space<hbm>>) dst(%arg6 : memref<16x1024xf32, #tpu.memory_space<vmem>>)
    %add3A_112 = arith.constant 128 : i32
    %add3A_113 = arith.addi %mul3A_2, %add3A_112 : i32
    "tpu.region"() ({
      %run_scoped3A = tpu.sem_alloc : memref<!tpu.dma_semaphore, #tpu.memory_space<semaphore_mem>>
      %dma_start3A_193 = arith.constant 0 : i32
      %dma_start3A_194 = tpu.memref_slice %arg4[%add3A_113, %dma_start3A_193] : memref<8192x1024xf32, #tpu.memory_space<hbm>> -> memref<16x1024xf32, #tpu.memory_space<hbm>>
      %dma_start3A_195 = arith.constant 0 : i32
      %dma_start3A_196 = tpu.memref_slice %arg4[%add3A_113, %dma_start3A_195] : memref<8192x1024xf32, #tpu.memory_space<hbm>> -> memref<16x1024xf32, #tpu.memory_space<hbm>>
      tpu.enqueue_dma source(%arg6 : memref<16x1024xf32, #tpu.memory_space<vmem>>) target(%dma_start3A_196 : memref<16x1024xf32, #tpu.memory_space<hbm>>) target_semaphore(%run_scoped3A : memref<!tpu.dma_semaphore, #tpu.memory_space<semaphore_mem>>)
      %dma_wait3A_197 = arith.constant 0 : i32
      %dma_wait3A_198 = tpu.memref_slice %arg4[%add3A_113, %dma_wait3A_197] : memref<8192x1024xf32, #tpu.memory_space<hbm>> -> memref<16x1024xf32, #tpu.memory_space<hbm>>
      %dma_wait3A_199 = arith.constant 0 : i32
      %dma_wait3A_200 = tpu.memref_slice %arg4[%add3A_113, %dma_wait3A_199] : memref<8192x1024xf32, #tpu.memory_space<hbm>> -> memref<16x1024xf32, #tpu.memory_space<hbm>>
      tpu.wait_dma2 semaphore(%run_scoped3A : memref<!tpu.dma_semaphore, #tpu.memory_space<semaphore_mem>>) src(%arg6 : memref<16x1024xf32, #tpu.memory_space<vmem>>) dst(%dma_wait3A_200 : memref<16x1024xf32, #tpu.memory_space<hbm>>)
      tpu.yield
    }) : () -> ()
    %dma_start3A_114 = arith.constant 160 : i32
    %dma_start3A_115 = tpu.memref_slice %arg5[%dma_start3A_114] : memref<256xi32, #tpu.memory_space<vmem>> -> memref<16xi32, #tpu.memory_space<vmem>>
    %dma_start3A_116 = arith.constant 0 : i32
    %dma_start3A_117 = arith.constant 0 : i32
    %dma_start3A_118 = tpu.memref_slice %arg2[%dma_start3A_116, %dma_start3A_117] : memref<100352x1024xf32, #tpu.memory_space<hbm>> -> memref<100352x1024xf32, #tpu.memory_space<hbm>>
    tpu.enqueue_indirect_dma source(%dma_start3A_118 : memref<100352x1024xf32, #tpu.memory_space<hbm>>) target(%arg6 : memref<16x1024xf32, #tpu.memory_space<vmem>>) offsets(%dma_start3A_115 : memref<16xi32, #tpu.memory_space<vmem>>) semaphore(%arg8 : memref<!tpu.dma_semaphore, #tpu.memory_space<semaphore_mem>>)
    %dma_wait3A_119 = arith.constant 144 : i32
    %dma_wait3A_120 = tpu.memref_slice %arg5[%dma_wait3A_119] : memref<256xi32, #tpu.memory_space<vmem>> -> memref<16xi32, #tpu.memory_space<vmem>>
    %dma_wait3A_121 = arith.constant 0 : i32
    %dma_wait3A_122 = arith.constant 0 : i32
    %dma_wait3A_123 = tpu.memref_slice %arg2[%dma_wait3A_121, %dma_wait3A_122] : memref<100352x1024xf32, #tpu.memory_space<hbm>> -> memref<100352x1024xf32, #tpu.memory_space<hbm>>
    tpu.wait_indirect_dma semaphore(%arg9 : memref<!tpu.dma_semaphore, #tpu.memory_space<semaphore_mem>>) src(%dma_wait3A_123 : memref<100352x1024xf32, #tpu.memory_space<hbm>>) dst(%arg7 : memref<16x1024xf32, #tpu.memory_space<vmem>>)
    %add3A_124 = arith.constant 144 : i32
    %add3A_125 = arith.addi %mul3A_2, %add3A_124 : i32
    "tpu.region"() ({
      %run_scoped3A = tpu.sem_alloc : memref<!tpu.dma_semaphore, #tpu.memory_space<semaphore_mem>>
      %dma_start3A_193 = arith.constant 0 : i32
      %dma_start3A_194 = tpu.memref_slice %arg4[%add3A_125, %dma_start3A_193] : memref<8192x1024xf32, #tpu.memory_space<hbm>> -> memref<16x1024xf32, #tpu.memory_space<hbm>>
      %dma_start3A_195 = arith.constant 0 : i32
      %dma_start3A_196 = tpu.memref_slice %arg4[%add3A_125, %dma_start3A_195] : memref<8192x1024xf32, #tpu.memory_space<hbm>> -> memref<16x1024xf32, #tpu.memory_space<hbm>>
      tpu.enqueue_dma source(%arg7 : memref<16x1024xf32, #tpu.memory_space<vmem>>) target(%dma_start3A_196 : memref<16x1024xf32, #tpu.memory_space<hbm>>) target_semaphore(%run_scoped3A : memref<!tpu.dma_semaphore, #tpu.memory_space<semaphore_mem>>)
      %dma_wait3A_197 = arith.constant 0 : i32
      %dma_wait3A_198 = tpu.memref_slice %arg4[%add3A_125, %dma_wait3A_197] : memref<8192x1024xf32, #tpu.memory_space<hbm>> -> memref<16x1024xf32, #tpu.memory_space<hbm>>
      %dma_wait3A_199 = arith.constant 0 : i32
      %dma_wait3A_200 = tpu.memref_slice %arg4[%add3A_125, %dma_wait3A_199] : memref<8192x1024xf32, #tpu.memory_space<hbm>> -> memref<16x1024xf32, #tpu.memory_space<hbm>>
      tpu.wait_dma2 semaphore(%run_scoped3A : memref<!tpu.dma_semaphore, #tpu.memory_space<semaphore_mem>>) src(%arg7 : memref<16x1024xf32, #tpu.memory_space<vmem>>) dst(%dma_wait3A_200 : memref<16x1024xf32, #tpu.memory_space<hbm>>)
      tpu.yield
    }) : () -> ()
    %dma_start3A_126 = arith.constant 176 : i32
    %dma_start3A_127 = tpu.memref_slice %arg5[%dma_start3A_126] : memref<256xi32, #tpu.memory_space<vmem>> -> memref<16xi32, #tpu.memory_space<vmem>>
    %dma_start3A_128 = arith.constant 0 : i32
    %dma_start3A_129 = arith.constant 0 : i32
    %dma_start3A_130 = tpu.memref_slice %arg2[%dma_start3A_128, %dma_start3A_129] : memref<100352x1024xf32, #tpu.memory_space<hbm>> -> memref<100352x1024xf32, #tpu.memory_space<hbm>>
    tpu.enqueue_indirect_dma source(%dma_start3A_130 : memref<100352x1024xf32, #tpu.memory_space<hbm>>) target(%arg7 : memref<16x1024xf32, #tpu.memory_space<vmem>>) offsets(%dma_start3A_127 : memref<16xi32, #tpu.memory_space<vmem>>) semaphore(%arg9 : memref<!tpu.dma_semaphore, #tpu.memory_space<semaphore_mem>>)
    %dma_wait3A_131 = arith.constant 160 : i32
    %dma_wait3A_132 = tpu.memref_slice %arg5[%dma_wait3A_131] : memref<256xi32, #tpu.memory_space<vmem>> -> memref<16xi32, #tpu.memory_space<vmem>>
    %dma_wait3A_133 = arith.constant 0 : i32
    %dma_wait3A_134 = arith.constant 0 : i32
    %dma_wait3A_135 = tpu.memref_slice %arg2[%dma_wait3A_133, %dma_wait3A_134] : memref<100352x1024xf32, #tpu.memory_space<hbm>> -> memref<100352x1024xf32, #tpu.memory_space<hbm>>
    tpu.wait_indirect_dma semaphore(%arg8 : memref<!tpu.dma_semaphore, #tpu.memory_space<semaphore_mem>>) src(%dma_wait3A_135 : memref<100352x1024xf32, #tpu.memory_space<hbm>>) dst(%arg6 : memref<16x1024xf32, #tpu.memory_space<vmem>>)
    %add3A_136 = arith.constant 160 : i32
    %add3A_137 = arith.addi %mul3A_2, %add3A_136 : i32
    "tpu.region"() ({
      %run_scoped3A = tpu.sem_alloc : memref<!tpu.dma_semaphore, #tpu.memory_space<semaphore_mem>>
      %dma_start3A_193 = arith.constant 0 : i32
      %dma_start3A_194 = tpu.memref_slice %arg4[%add3A_137, %dma_start3A_193] : memref<8192x1024xf32, #tpu.memory_space<hbm>> -> memref<16x1024xf32, #tpu.memory_space<hbm>>
      %dma_start3A_195 = arith.constant 0 : i32
      %dma_start3A_196 = tpu.memref_slice %arg4[%add3A_137, %dma_start3A_195] : memref<8192x1024xf32, #tpu.memory_space<hbm>> -> memref<16x1024xf32, #tpu.memory_space<hbm>>
      tpu.enqueue_dma source(%arg6 : memref<16x1024xf32, #tpu.memory_space<vmem>>) target(%dma_start3A_196 : memref<16x1024xf32, #tpu.memory_space<hbm>>) target_semaphore(%run_scoped3A : memref<!tpu.dma_semaphore, #tpu.memory_space<semaphore_mem>>)
      %dma_wait3A_197 = arith.constant 0 : i32
      %dma_wait3A_198 = tpu.memref_slice %arg4[%add3A_137, %dma_wait3A_197] : memref<8192x1024xf32, #tpu.memory_space<hbm>> -> memref<16x1024xf32, #tpu.memory_space<hbm>>
      %dma_wait3A_199 = arith.constant 0 : i32
      %dma_wait3A_200 = tpu.memref_slice %arg4[%add3A_137, %dma_wait3A_199] : memref<8192x1024xf32, #tpu.memory_space<hbm>> -> memref<16x1024xf32, #tpu.memory_space<hbm>>
      tpu.wait_dma2 semaphore(%run_scoped3A : memref<!tpu.dma_semaphore, #tpu.memory_space<semaphore_mem>>) src(%arg6 : memref<16x1024xf32, #tpu.memory_space<vmem>>) dst(%dma_wait3A_200 : memref<16x1024xf32, #tpu.memory_space<hbm>>)
      tpu.yield
    }) : () -> ()
    %dma_start3A_138 = arith.constant 192 : i32
    %dma_start3A_139 = tpu.memref_slice %arg5[%dma_start3A_138] : memref<256xi32, #tpu.memory_space<vmem>> -> memref<16xi32, #tpu.memory_space<vmem>>
    %dma_start3A_140 = arith.constant 0 : i32
    %dma_start3A_141 = arith.constant 0 : i32
    %dma_start3A_142 = tpu.memref_slice %arg2[%dma_start3A_140, %dma_start3A_141] : memref<100352x1024xf32, #tpu.memory_space<hbm>> -> memref<100352x1024xf32, #tpu.memory_space<hbm>>
    tpu.enqueue_indirect_dma source(%dma_start3A_142 : memref<100352x1024xf32, #tpu.memory_space<hbm>>) target(%arg6 : memref<16x1024xf32, #tpu.memory_space<vmem>>) offsets(%dma_start3A_139 : memref<16xi32, #tpu.memory_space<vmem>>) semaphore(%arg8 : memref<!tpu.dma_semaphore, #tpu.memory_space<semaphore_mem>>)
    %dma_wait3A_143 = arith.constant 176 : i32
    %dma_wait3A_144 = tpu.memref_slice %arg5[%dma_wait3A_143] : memref<256xi32, #tpu.memory_space<vmem>> -> memref<16xi32, #tpu.memory_space<vmem>>
    %dma_wait3A_145 = arith.constant 0 : i32
    %dma_wait3A_146 = arith.constant 0 : i32
    %dma_wait3A_147 = tpu.memref_slice %arg2[%dma_wait3A_145, %dma_wait3A_146] : memref<100352x1024xf32, #tpu.memory_space<hbm>> -> memref<100352x1024xf32, #tpu.memory_space<hbm>>
    tpu.wait_indirect_dma semaphore(%arg9 : memref<!tpu.dma_semaphore, #tpu.memory_space<semaphore_mem>>) src(%dma_wait3A_147 : memref<100352x1024xf32, #tpu.memory_space<hbm>>) dst(%arg7 : memref<16x1024xf32, #tpu.memory_space<vmem>>)
    %add3A_148 = arith.constant 176 : i32
    %add3A_149 = arith.addi %mul3A_2, %add3A_148 : i32
    "tpu.region"() ({
      %run_scoped3A = tpu.sem_alloc : memref<!tpu.dma_semaphore, #tpu.memory_space<semaphore_mem>>
      %dma_start3A_193 = arith.constant 0 : i32
      %dma_start3A_194 = tpu.memref_slice %arg4[%add3A_149, %dma_start3A_193] : memref<8192x1024xf32, #tpu.memory_space<hbm>> -> memref<16x1024xf32, #tpu.memory_space<hbm>>
      %dma_start3A_195 = arith.constant 0 : i32
      %dma_start3A_196 = tpu.memref_slice %arg4[%add3A_149, %dma_start3A_195] : memref<8192x1024xf32, #tpu.memory_space<hbm>> -> memref<16x1024xf32, #tpu.memory_space<hbm>>
      tpu.enqueue_dma source(%arg7 : memref<16x1024xf32, #tpu.memory_space<vmem>>) target(%dma_start3A_196 : memref<16x1024xf32, #tpu.memory_space<hbm>>) target_semaphore(%run_scoped3A : memref<!tpu.dma_semaphore, #tpu.memory_space<semaphore_mem>>)
      %dma_wait3A_197 = arith.constant 0 : i32
      %dma_wait3A_198 = tpu.memref_slice %arg4[%add3A_149, %dma_wait3A_197] : memref<8192x1024xf32, #tpu.memory_space<hbm>> -> memref<16x1024xf32, #tpu.memory_space<hbm>>
      %dma_wait3A_199 = arith.constant 0 : i32
      %dma_wait3A_200 = tpu.memref_slice %arg4[%add3A_149, %dma_wait3A_199] : memref<8192x1024xf32, #tpu.memory_space<hbm>> -> memref<16x1024xf32, #tpu.memory_space<hbm>>
      tpu.wait_dma2 semaphore(%run_scoped3A : memref<!tpu.dma_semaphore, #tpu.memory_space<semaphore_mem>>) src(%arg7 : memref<16x1024xf32, #tpu.memory_space<vmem>>) dst(%dma_wait3A_200 : memref<16x1024xf32, #tpu.memory_space<hbm>>)
      tpu.yield
    }) : () -> ()
    %dma_start3A_150 = arith.constant 208 : i32
    %dma_start3A_151 = tpu.memref_slice %arg5[%dma_start3A_150] : memref<256xi32, #tpu.memory_space<vmem>> -> memref<16xi32, #tpu.memory_space<vmem>>
    %dma_start3A_152 = arith.constant 0 : i32
    %dma_start3A_153 = arith.constant 0 : i32
    %dma_start3A_154 = tpu.memref_slice %arg2[%dma_start3A_152, %dma_start3A_153] : memref<100352x1024xf32, #tpu.memory_space<hbm>> -> memref<100352x1024xf32, #tpu.memory_space<hbm>>
    tpu.enqueue_indirect_dma source(%dma_start3A_154 : memref<100352x1024xf32, #tpu.memory_space<hbm>>) target(%arg7 : memref<16x1024xf32, #tpu.memory_space<vmem>>) offsets(%dma_start3A_151 : memref<16xi32, #tpu.memory_space<vmem>>) semaphore(%arg9 : memref<!tpu.dma_semaphore, #tpu.memory_space<semaphore_mem>>)
    %dma_wait3A_155 = arith.constant 192 : i32
    %dma_wait3A_156 = tpu.memref_slice %arg5[%dma_wait3A_155] : memref<256xi32, #tpu.memory_space<vmem>> -> memref<16xi32, #tpu.memory_space<vmem>>
    %dma_wait3A_157 = arith.constant 0 : i32
    %dma_wait3A_158 = arith.constant 0 : i32
    %dma_wait3A_159 = tpu.memref_slice %arg2[%dma_wait3A_157, %dma_wait3A_158] : memref<100352x1024xf32, #tpu.memory_space<hbm>> -> memref<100352x1024xf32, #tpu.memory_space<hbm>>
    tpu.wait_indirect_dma semaphore(%arg8 : memref<!tpu.dma_semaphore, #tpu.memory_space<semaphore_mem>>) src(%dma_wait3A_159 : memref<100352x1024xf32, #tpu.memory_space<hbm>>) dst(%arg6 : memref<16x1024xf32, #tpu.memory_space<vmem>>)
    %add3A_160 = arith.constant 192 : i32
    %add3A_161 = arith.addi %mul3A_2, %add3A_160 : i32
    "tpu.region"() ({
      %run_scoped3A = tpu.sem_alloc : memref<!tpu.dma_semaphore, #tpu.memory_space<semaphore_mem>>
      %dma_start3A_193 = arith.constant 0 : i32
      %dma_start3A_194 = tpu.memref_slice %arg4[%add3A_161, %dma_start3A_193] : memref<8192x1024xf32, #tpu.memory_space<hbm>> -> memref<16x1024xf32, #tpu.memory_space<hbm>>
      %dma_start3A_195 = arith.constant 0 : i32
      %dma_start3A_196 = tpu.memref_slice %arg4[%add3A_161, %dma_start3A_195] : memref<8192x1024xf32, #tpu.memory_space<hbm>> -> memref<16x1024xf32, #tpu.memory_space<hbm>>
      tpu.enqueue_dma source(%arg6 : memref<16x1024xf32, #tpu.memory_space<vmem>>) target(%dma_start3A_196 : memref<16x1024xf32, #tpu.memory_space<hbm>>) target_semaphore(%run_scoped3A : memref<!tpu.dma_semaphore, #tpu.memory_space<semaphore_mem>>)
      %dma_wait3A_197 = arith.constant 0 : i32
      %dma_wait3A_198 = tpu.memref_slice %arg4[%add3A_161, %dma_wait3A_197] : memref<8192x1024xf32, #tpu.memory_space<hbm>> -> memref<16x1024xf32, #tpu.memory_space<hbm>>
      %dma_wait3A_199 = arith.constant 0 : i32
      %dma_wait3A_200 = tpu.memref_slice %arg4[%add3A_161, %dma_wait3A_199] : memref<8192x1024xf32, #tpu.memory_space<hbm>> -> memref<16x1024xf32, #tpu.memory_space<hbm>>
      tpu.wait_dma2 semaphore(%run_scoped3A : memref<!tpu.dma_semaphore, #tpu.memory_space<semaphore_mem>>) src(%arg6 : memref<16x1024xf32, #tpu.memory_space<vmem>>) dst(%dma_wait3A_200 : memref<16x1024xf32, #tpu.memory_space<hbm>>)
      tpu.yield
    }) : () -> ()
    %dma_start3A_162 = arith.constant 224 : i32
    %dma_start3A_163 = tpu.memref_slice %arg5[%dma_start3A_162] : memref<256xi32, #tpu.memory_space<vmem>> -> memref<16xi32, #tpu.memory_space<vmem>>
    %dma_start3A_164 = arith.constant 0 : i32
    %dma_start3A_165 = arith.constant 0 : i32
    %dma_start3A_166 = tpu.memref_slice %arg2[%dma_start3A_164, %dma_start3A_165] : memref<100352x1024xf32, #tpu.memory_space<hbm>> -> memref<100352x1024xf32, #tpu.memory_space<hbm>>
    tpu.enqueue_indirect_dma source(%dma_start3A_166 : memref<100352x1024xf32, #tpu.memory_space<hbm>>) target(%arg6 : memref<16x1024xf32, #tpu.memory_space<vmem>>) offsets(%dma_start3A_163 : memref<16xi32, #tpu.memory_space<vmem>>) semaphore(%arg8 : memref<!tpu.dma_semaphore, #tpu.memory_space<semaphore_mem>>)
    %dma_wait3A_167 = arith.constant 208 : i32
    %dma_wait3A_168 = tpu.memref_slice %arg5[%dma_wait3A_167] : memref<256xi32, #tpu.memory_space<vmem>> -> memref<16xi32, #tpu.memory_space<vmem>>
    %dma_wait3A_169 = arith.constant 0 : i32
    %dma_wait3A_170 = arith.constant 0 : i32
    %dma_wait3A_171 = tpu.memref_slice %arg2[%dma_wait3A_169, %dma_wait3A_170] : memref<100352x1024xf32, #tpu.memory_space<hbm>> -> memref<100352x1024xf32, #tpu.memory_space<hbm>>
    tpu.wait_indirect_dma semaphore(%arg9 : memref<!tpu.dma_semaphore, #tpu.memory_space<semaphore_mem>>) src(%dma_wait3A_171 : memref<100352x1024xf32, #tpu.memory_space<hbm>>) dst(%arg7 : memref<16x1024xf32, #tpu.memory_space<vmem>>)
    %add3A_172 = arith.constant 208 : i32
    %add3A_173 = arith.addi %mul3A_2, %add3A_172 : i32
    "tpu.region"() ({
      %run_scoped3A = tpu.sem_alloc : memref<!tpu.dma_semaphore, #tpu.memory_space<semaphore_mem>>
      %dma_start3A_193 = arith.constant 0 : i32
      %dma_start3A_194 = tpu.memref_slice %arg4[%add3A_173, %dma_start3A_193] : memref<8192x1024xf32, #tpu.memory_space<hbm>> -> memref<16x1024xf32, #tpu.memory_space<hbm>>
      %dma_start3A_195 = arith.constant 0 : i32
      %dma_start3A_196 = tpu.memref_slice %arg4[%add3A_173, %dma_start3A_195] : memref<8192x1024xf32, #tpu.memory_space<hbm>> -> memref<16x1024xf32, #tpu.memory_space<hbm>>
      tpu.enqueue_dma source(%arg7 : memref<16x1024xf32, #tpu.memory_space<vmem>>) target(%dma_start3A_196 : memref<16x1024xf32, #tpu.memory_space<hbm>>) target_semaphore(%run_scoped3A : memref<!tpu.dma_semaphore, #tpu.memory_space<semaphore_mem>>)
      %dma_wait3A_197 = arith.constant 0 : i32
      %dma_wait3A_198 = tpu.memref_slice %arg4[%add3A_173, %dma_wait3A_197] : memref<8192x1024xf32, #tpu.memory_space<hbm>> -> memref<16x1024xf32, #tpu.memory_space<hbm>>
      %dma_wait3A_199 = arith.constant 0 : i32
      %dma_wait3A_200 = tpu.memref_slice %arg4[%add3A_173, %dma_wait3A_199] : memref<8192x1024xf32, #tpu.memory_space<hbm>> -> memref<16x1024xf32, #tpu.memory_space<hbm>>
      tpu.wait_dma2 semaphore(%run_scoped3A : memref<!tpu.dma_semaphore, #tpu.memory_space<semaphore_mem>>) src(%arg7 : memref<16x1024xf32, #tpu.memory_space<vmem>>) dst(%dma_wait3A_200 : memref<16x1024xf32, #tpu.memory_space<hbm>>)
      tpu.yield
    }) : () -> ()
    %dma_start3A_174 = arith.constant 240 : i32
    %dma_start3A_175 = tpu.memref_slice %arg5[%dma_start3A_174] : memref<256xi32, #tpu.memory_space<vmem>> -> memref<16xi32, #tpu.memory_space<vmem>>
    %dma_start3A_176 = arith.constant 0 : i32
    %dma_start3A_177 = arith.constant 0 : i32
    %dma_start3A_178 = tpu.memref_slice %arg2[%dma_start3A_176, %dma_start3A_177] : memref<100352x1024xf32, #tpu.memory_space<hbm>> -> memref<100352x1024xf32, #tpu.memory_space<hbm>>
    tpu.enqueue_indirect_dma source(%dma_start3A_178 : memref<100352x1024xf32, #tpu.memory_space<hbm>>) target(%arg7 : memref<16x1024xf32, #tpu.memory_space<vmem>>) offsets(%dma_start3A_175 : memref<16xi32, #tpu.memory_space<vmem>>) semaphore(%arg9 : memref<!tpu.dma_semaphore, #tpu.memory_space<semaphore_mem>>)
    %dma_wait3A_179 = arith.constant 224 : i32
    %dma_wait3A_180 = tpu.memref_slice %arg5[%dma_wait3A_179] : memref<256xi32, #tpu.memory_space<vmem>> -> memref<16xi32, #tpu.memory_space<vmem>>
    %dma_wait3A_181 = arith.constant 0 : i32
    %dma_wait3A_182 = arith.constant 0 : i32
    %dma_wait3A_183 = tpu.memref_slice %arg2[%dma_wait3A_181, %dma_wait3A_182] : memref<100352x1024xf32, #tpu.memory_space<hbm>> -> memref<100352x1024xf32, #tpu.memory_space<hbm>>
    tpu.wait_indirect_dma semaphore(%arg8 : memref<!tpu.dma_semaphore, #tpu.memory_space<semaphore_mem>>) src(%dma_wait3A_183 : memref<100352x1024xf32, #tpu.memory_space<hbm>>) dst(%arg6 : memref<16x1024xf32, #tpu.memory_space<vmem>>)
    %add3A_184 = arith.constant 224 : i32
    %add3A_185 = arith.addi %mul3A_2, %add3A_184 : i32
    "tpu.region"() ({
      %run_scoped3A = tpu.sem_alloc : memref<!tpu.dma_semaphore, #tpu.memory_space<semaphore_mem>>
      %dma_start3A_193 = arith.constant 0 : i32
      %dma_start3A_194 = tpu.memref_slice %arg4[%add3A_185, %dma_start3A_193] : memref<8192x1024xf32, #tpu.memory_space<hbm>> -> memref<16x1024xf32, #tpu.memory_space<hbm>>
      %dma_start3A_195 = arith.constant 0 : i32
      %dma_start3A_196 = tpu.memref_slice %arg4[%add3A_185, %dma_start3A_195] : memref<8192x1024xf32, #tpu.memory_space<hbm>> -> memref<16x1024xf32, #tpu.memory_space<hbm>>
      tpu.enqueue_dma source(%arg6 : memref<16x1024xf32, #tpu.memory_space<vmem>>) target(%dma_start3A_196 : memref<16x1024xf32, #tpu.memory_space<hbm>>) target_semaphore(%run_scoped3A : memref<!tpu.dma_semaphore, #tpu.memory_space<semaphore_mem>>)
      %dma_wait3A_197 = arith.constant 0 : i32
      %dma_wait3A_198 = tpu.memref_slice %arg4[%add3A_185, %dma_wait3A_197] : memref<8192x1024xf32, #tpu.memory_space<hbm>> -> memref<16x1024xf32, #tpu.memory_space<hbm>>
      %dma_wait3A_199 = arith.constant 0 : i32
      %dma_wait3A_200 = tpu.memref_slice %arg4[%add3A_185, %dma_wait3A_199] : memref<8192x1024xf32, #tpu.memory_space<hbm>> -> memref<16x1024xf32, #tpu.memory_space<hbm>>
      tpu.wait_dma2 semaphore(%run_scoped3A : memref<!tpu.dma_semaphore, #tpu.memory_space<semaphore_mem>>) src(%arg6 : memref<16x1024xf32, #tpu.memory_space<vmem>>) dst(%dma_wait3A_200 : memref<16x1024xf32, #tpu.memory_space<hbm>>)
      tpu.yield
    }) : () -> ()
    %dma_wait3A_186 = arith.constant 240 : i32
    %dma_wait3A_187 = tpu.memref_slice %arg5[%dma_wait3A_186] : memref<256xi32, #tpu.memory_space<vmem>> -> memref<16xi32, #tpu.memory_space<vmem>>
    %dma_wait3A_188 = arith.constant 0 : i32
    %dma_wait3A_189 = arith.constant 0 : i32
    %dma_wait3A_190 = tpu.memref_slice %arg2[%dma_wait3A_188, %dma_wait3A_189] : memref<100352x1024xf32, #tpu.memory_space<hbm>> -> memref<100352x1024xf32, #tpu.memory_space<hbm>>
    tpu.wait_indirect_dma semaphore(%arg9 : memref<!tpu.dma_semaphore, #tpu.memory_space<semaphore_mem>>) src(%dma_wait3A_190 : memref<100352x1024xf32, #tpu.memory_space<hbm>>) dst(%arg7 : memref<16x1024xf32, #tpu.memory_space<vmem>>)
    %add3A_191 = arith.constant 240 : i32
    %add3A_192 = arith.addi %mul3A_2, %add3A_191 : i32
    "tpu.region"() ({
      %run_scoped3A = tpu.sem_alloc : memref<!tpu.dma_semaphore, #tpu.memory_space<semaphore_mem>>
      %dma_start3A_193 = arith.constant 0 : i32
      %dma_start3A_194 = tpu.memref_slice %arg4[%add3A_192, %dma_start3A_193] : memref<8192x1024xf32, #tpu.memory_space<hbm>> -> memref<16x1024xf32, #tpu.memory_space<hbm>>
      %dma_start3A_195 = arith.constant 0 : i32
      %dma_start3A_196 = tpu.memref_slice %arg4[%add3A_192, %dma_start3A_195] : memref<8192x1024xf32, #tpu.memory_space<hbm>> -> memref<16x1024xf32, #tpu.memory_space<hbm>>
      tpu.enqueue_dma source(%arg7 : memref<16x1024xf32, #tpu.memory_space<vmem>>) target(%dma_start3A_196 : memref<16x1024xf32, #tpu.memory_space<hbm>>) target_semaphore(%run_scoped3A : memref<!tpu.dma_semaphore, #tpu.memory_space<semaphore_mem>>)
      %dma_wait3A_197 = arith.constant 0 : i32
      %dma_wait3A_198 = tpu.memref_slice %arg4[%add3A_192, %dma_wait3A_197] : memref<8192x1024xf32, #tpu.memory_space<hbm>> -> memref<16x1024xf32, #tpu.memory_space<hbm>>
      %dma_wait3A_199 = arith.constant 0 : i32
      %dma_wait3A_200 = tpu.memref_slice %arg4[%add3A_192, %dma_wait3A_199] : memref<8192x1024xf32, #tpu.memory_space<hbm>> -> memref<16x1024xf32, #tpu.memory_space<hbm>>
      tpu.wait_dma2 semaphore(%run_scoped3A : memref<!tpu.dma_semaphore, #tpu.memory_space<semaphore_mem>>) src(%arg7 : memref<16x1024xf32, #tpu.memory_space<vmem>>) dst(%dma_wait3A_200 : memref<16x1024xf32, #tpu.memory_space<hbm>>)
      tpu.yield
    }) : () -> ()
    return
  }
}

module attributes {stable_mosaic.version = 14 : i64} {
  func.func @_qnorm_kernel(%arg0: memref<1024x128xf32, #tpu.memory_space<vmem>>, %arg1: memref<1024x128xbf16, #tpu.memory_space<vmem>>) attributes {dimension_semantics = [], scalar_prefetch = 0 : i64, scratch_operands = 0 : i64, tpu.core_type = #tpu.core_type<tc>} {
    %get3A = arith.constant 0 : index
    %get3A_0 = arith.constant 0 : index
    %get3A_1 = vector.load %arg0[%get3A, %get3A_0] : memref<1024x128xf32, #tpu.memory_space<vmem>>, vector<1024x128xf32>
    %mul3A = arith.mulf %get3A_1, %get3A_1 : vector<1024x128xf32>
    %reduce_sum3A = arith.constant dense<0.000000e+00> : vector<1024xf32>
    %reduce_sum3A_2 = vector.multi_reduction <add>, %mul3A, %reduce_sum3A [1] : vector<1024x128xf32> to vector<1024xf32>
    %broadcast_in_dim3A = vector.shape_cast %reduce_sum3A_2 : vector<1024xf32> to vector<1024x1xf32>
    %sqrt3A = math.sqrt %broadcast_in_dim3A : vector<1024x1xf32>
    %max3A = arith.constant 9.99999996E-13 : f32
    %max3A_3 = vector.broadcast %max3A : f32 to vector<1024x1xf32>
    %max3A_4 = arith.maximumf %sqrt3A, %max3A_3 : vector<1024x1xf32>
    %div3A = vector.broadcast %max3A_4 : vector<1024x1xf32> to vector<1024x128xf32>
    %div3A_5 = arith.divf %get3A_1, %div3A : vector<1024x128xf32>
    %convert_element_type3A = arith.truncf %div3A_5 : vector<1024x128xf32> to vector<1024x128xbf16>
    %swap3A = arith.constant 0 : index
    %swap3A_6 = arith.constant 0 : index
    %swap3A_7 = vector.load %arg1[%swap3A, %swap3A_6] : memref<1024x128xbf16, #tpu.memory_space<vmem>>, vector<1024x128xbf16>
    tpu.vector_store %arg1[%swap3A, %swap3A_6], %convert_element_type3A {strides = array<i32>} : memref<1024x128xbf16, #tpu.memory_space<vmem>>, vector<1024x128xbf16>,
    return
  }
}

module attributes {stable_mosaic.version = 14 : i64} {
  func.func @_simblock_kernel(%arg0: i32, %arg1: memref<1024x128xbf16, #tpu.memory_space<vmem>>, %arg2: memref<1024x128xf32, #tpu.memory_space<vmem>>, %arg3: memref<1x1024x1024xf32, #tpu.memory_space<vmem>>, %arg4: memref<1x1024x1xf32, #tpu.memory_space<vmem>>) attributes {dimension_semantics = [#tpu.dimension_semantics<parallel>], iteration_bounds = array<i64: 98>, scalar_prefetch = 0 : i64, scratch_operands = 0 : i64, tpu.core_type = #tpu.core_type<tc>, window_params = [{pipeline_mode = #tpu.pipeline_mode<synchronous>, transform_indices = @transform_0, window_bounds = array<i64: 1024, 128>}, {transform_indices = @transform_1, window_bounds = array<i64: 1024, 128>}, {transform_indices = @transform_2, window_bounds = array<i64: 1, 1024, 1024>}, {transform_indices = @transform_3, window_bounds = array<i64: 1, 1024, 1>}]} {
    %get3A = arith.constant 0 : index
    %get3A_0 = arith.constant 0 : index
    %get3A_1 = vector.load %arg2[%get3A, %get3A_0] : memref<1024x128xf32, #tpu.memory_space<vmem>>, vector<1024x128xf32>
    %mul3A = arith.mulf %get3A_1, %get3A_1 : vector<1024x128xf32>
    %reduce_sum3A = arith.constant dense<0.000000e+00> : vector<1024xf32>
    %reduce_sum3A_2 = vector.multi_reduction <add>, %mul3A, %reduce_sum3A [1] : vector<1024x128xf32> to vector<1024xf32>
    %broadcast_in_dim3A = vector.shape_cast %reduce_sum3A_2 : vector<1024xf32> to vector<1024x1xf32>
    %sqrt3A = math.sqrt %broadcast_in_dim3A : vector<1024x1xf32>
    %max3A = arith.constant 9.99999996E-13 : f32
    %max3A_3 = vector.broadcast %max3A : f32 to vector<1024x1xf32>
    %max3A_4 = arith.maximumf %sqrt3A, %max3A_3 : vector<1024x1xf32>
    %div3A = vector.broadcast %max3A_4 : vector<1024x1xf32> to vector<1024x128xf32>
    %div3A_5 = arith.divf %get3A_1, %div3A : vector<1024x128xf32>
    %convert_element_type3A = arith.truncf %div3A_5 : vector<1024x128xf32> to vector<1024x128xbf16>
    %get3A_6 = arith.constant 0 : index
    %get3A_7 = arith.constant 0 : index
    %get3A_8 = vector.load %arg1[%get3A_6, %get3A_7] : memref<1024x128xbf16, #tpu.memory_space<vmem>>, vector<1024x128xbf16>
    %dot_general3A = arith.constant dense<0.000000e+00> : vector<1024x1024xf32>
    %dot_general3A_9 = tpu.matmul %get3A_8, %convert_element_type3A, %dot_general3A {dimension_numbers = #tpu.dot_dimension_numbers<[1], [1], [0], [0], [0, 0, 1, 0], [], []>, transpose_lhs_hint = false} : vector<1024x128xbf16>, vector<1024x128xbf16>, vector<1024x1024xf32> -> vector<1024x1024xf32>
    %mul3A_10 = arith.constant 1024 : i32
    %mul3A_11 = arith.muli %arg0, %mul3A_10 : i32
    %iota3A = tpu.iota {dimensions = array<i32: 1>} : vector<1024x1024xi32>
    %add3A = vector.broadcast %mul3A_11 : i32 to vector<1024x1024xi32>
    %add3A_12 = arith.addi %add3A, %iota3A : vector<1024x1024xi32>
    %ge3A = arith.constant 100000 : i32
    %ge3A_13 = vector.broadcast %ge3A : i32 to vector<1024x1024xi32>
    %ge3A_14 = arith.cmpi sge, %add3A_12, %ge3A_13 : vector<1024x1024xi32>
    %jit3A = arith.constant -2.000000e+00 : f32
    %broadcast_in_dim3A_15 = vector.broadcast %jit3A : f32 to vector<1024x1024xf32>
    %select_n3A = arith.select %ge3A_14, %broadcast_in_dim3A_15, %dot_general3A_9 : vector<1024x1024xi1>, vector<1024x1024xf32>
    %swap3A = arith.constant 0 : index
    %swap3A_16 = arith.constant 0 : index
    %swap3A_17 = arith.constant 0 : index
    %swap3A_18 = vector.load %arg3[%swap3A, %swap3A_16, %swap3A_17] : memref<1x1024x1024xf32, #tpu.memory_space<vmem>>, vector<1x1024x1024xf32>
    %swap3A_19 = vector.shape_cast %swap3A_18 : vector<1x1024x1024xf32> to vector<1024x1024xf32>
    %swap3A_20 = vector.shape_cast %select_n3A : vector<1024x1024xf32> to vector<1x1024x1024xf32>
    tpu.vector_store %arg3[%swap3A, %swap3A_16, %swap3A_17], %swap3A_20 {strides = array<i32>} : memref<1x1024x1024xf32, #tpu.memory_space<vmem>>, vector<1x1024x1024xf32>,
    %reduce_max3A = arith.constant dense<0xFF800000> : vector<1024xf32>
    %reduce_max3A_21 = vector.multi_reduction <maximumf>, %select_n3A, %reduce_max3A [1] : vector<1024x1024xf32> to vector<1024xf32>
    %broadcast_in_dim3A_22 = vector.shape_cast %reduce_max3A_21 : vector<1024xf32> to vector<1024x1xf32>
    %swap3A_23 = arith.constant 0 : index
    %swap3A_24 = arith.constant 0 : index
    %swap3A_25 = arith.constant 0 : index
    %swap3A_26 = vector.load %arg4[%swap3A_23, %swap3A_24, %swap3A_25] : memref<1x1024x1xf32, #tpu.memory_space<vmem>>, vector<1x1024x1xf32>
    %swap3A_27 = vector.shape_cast %swap3A_26 : vector<1x1024x1xf32> to vector<1024x1xf32>
    %swap3A_28 = vector.shape_cast %broadcast_in_dim3A_22 : vector<1024x1xf32> to vector<1x1024x1xf32>
    tpu.vector_store %arg4[%swap3A_23, %swap3A_24, %swap3A_25], %swap3A_28 {strides = array<i32>} : memref<1x1024x1xf32, #tpu.memory_space<vmem>>, vector<1x1024x1xf32>,
    return
  }
  func.func @transform_0(%arg0: i32) -> (i32, i32) {
    %c0_i32 = arith.constant 0 : i32
    %c0_i32_0 = arith.constant 0 : i32
    %c0_i32_1 = arith.constant 0 : i32
    return %c0_i32, %c0_i32_0 : i32, i32
  }
  func.func @transform_1(%arg0: i32) -> (i32, i32) {
    %c0_i32 = arith.constant 0 : i32
    %c0_i32_0 = arith.constant 0 : i32
    return %arg0, %c0_i32 : i32, i32
  }
  func.func @transform_2(%arg0: i32) -> (i32, i32, i32) {
    %c0_i32 = arith.constant 0 : i32
    %c0_i32_0 = arith.constant 0 : i32
    %c0_i32_1 = arith.constant 0 : i32
    return %arg0, %c0_i32, %c0_i32_0 : i32, i32, i32
  }
  func.func @transform_3(%arg0: i32) -> (i32, i32, i32) {
    %c0_i32 = arith.constant 0 : i32
    %c0_i32_0 = arith.constant 0 : i32
    %c0_i32_1 = arith.constant 0 : i32
    return %arg0, %c0_i32, %c0_i32_0 : i32, i32, i32
  }
}

module attributes {stable_mosaic.version = 14 : i64} {
  func.func @_blocksel_kernel(%arg0: memref<1024x98xf32, #tpu.memory_space<vmem>>, %arg1: memref<8x1024xi32, #tpu.memory_space<vmem>>, %arg2: memref<8x1024xi32, #tpu.memory_space<vmem>>) attributes {dimension_semantics = [], scalar_prefetch = 0 : i64, scratch_operands = 0 : i64, tpu.core_type = #tpu.core_type<tc>} {
    %get3A = arith.constant 0 : index
    %get3A_0 = arith.constant 0 : index
    %get3A_1 = vector.load %arg0[%get3A, %get3A_0] : memref<1024x98xf32, #tpu.memory_space<vmem>>, vector<1024x98xf32>
    %iota3A = tpu.iota {dimensions = array<i32: 1>} : vector<1024x98xi32>
    %reduce_max3A = arith.constant dense<0xFF800000> : vector<1024xf32>
    %reduce_max3A_2 = vector.multi_reduction <maximumf>, %get3A_1, %reduce_max3A [1] : vector<1024x98xf32> to vector<1024xf32>
    %broadcast_in_dim3A = vector.shape_cast %reduce_max3A_2 : vector<1024xf32> to vector<1024x1xf32>
    %eq3A = vector.broadcast %broadcast_in_dim3A : vector<1024x1xf32> to vector<1024x98xf32>
    %eq3A_3 = arith.cmpf oeq, %get3A_1, %eq3A : vector<1024x98xf32>
    %jit3A = arith.constant 1073741824 : i32
    %broadcast_in_dim3A_4 = vector.broadcast %jit3A : i32 to vector<1024x98xi32>
    %select_n3A = arith.select %eq3A_3, %iota3A, %broadcast_in_dim3A_4 : vector<1024x98xi1>, vector<1024x98xi32>
    %reduce_min3A = arith.constant dense<2147483647> : vector<1024xi32>
    %reduce_min3A_5 = vector.multi_reduction <minsi>, %select_n3A, %reduce_min3A [1] : vector<1024x98xi32> to vector<1024xi32>
    %broadcast_in_dim3A_6 = vector.shape_cast %reduce_min3A_5 : vector<1024xi32> to vector<1024x1xi32>
    %eq3A_7 = vector.broadcast %broadcast_in_dim3A_6 : vector<1024x1xi32> to vector<1024x98xi32>
    %eq3A_8 = arith.cmpi eq, %iota3A, %eq3A_7 : vector<1024x98xi32>
    %jit3A_9 = arith.constant -3.000000e+00 : f32
    %broadcast_in_dim3A_10 = vector.broadcast %jit3A_9 : f32 to vector<1024x98xf32>
    %select_n3A_11 = arith.select %eq3A_8, %broadcast_in_dim3A_10, %get3A_1 : vector<1024x98xi1>, vector<1024x98xf32>
    %reduce_max3A_12 = arith.constant dense<0xFF800000> : vector<1024xf32>
    %reduce_max3A_13 = vector.multi_reduction <maximumf>, %select_n3A_11, %reduce_max3A_12 [1] : vector<1024x98xf32> to vector<1024xf32>
    %broadcast_in_dim3A_14 = vector.shape_cast %reduce_max3A_13 : vector<1024xf32> to vector<1024x1xf32>
    %eq3A_15 = vector.broadcast %broadcast_in_dim3A_14 : vector<1024x1xf32> to vector<1024x98xf32>
    %eq3A_16 = arith.cmpf oeq, %select_n3A_11, %eq3A_15 : vector<1024x98xf32>
    %jit3A_17 = arith.constant 1073741824 : i32
    %broadcast_in_dim3A_18 = vector.broadcast %jit3A_17 : i32 to vector<1024x98xi32>
    %select_n3A_19 = arith.select %eq3A_16, %iota3A, %broadcast_in_dim3A_18 : vector<1024x98xi1>, vector<1024x98xi32>
    %reduce_min3A_20 = arith.constant dense<2147483647> : vector<1024xi32>
    %reduce_min3A_21 = vector.multi_reduction <minsi>, %select_n3A_19, %reduce_min3A_20 [1] : vector<1024x98xi32> to vector<1024xi32>
    %broadcast_in_dim3A_22 = vector.shape_cast %reduce_min3A_21 : vector<1024xi32> to vector<1024x1xi32>
    %eq3A_23 = vector.broadcast %broadcast_in_dim3A_22 : vector<1024x1xi32> to vector<1024x98xi32>
    %eq3A_24 = arith.cmpi eq, %iota3A, %eq3A_23 : vector<1024x98xi32>
    %jit3A_25 = arith.constant -3.000000e+00 : f32
    %broadcast_in_dim3A_26 = vector.broadcast %jit3A_25 : f32 to vector<1024x98xf32>
    %select_n3A_27 = arith.select %eq3A_24, %broadcast_in_dim3A_26, %select_n3A_11 : vector<1024x98xi1>, vector<1024x98xf32>
    %reduce_max3A_28 = arith.constant dense<0xFF800000> : vector<1024xf32>
    %reduce_max3A_29 = vector.multi_reduction <maximumf>, %select_n3A_27, %reduce_max3A_28 [1] : vector<1024x98xf32> to vector<1024xf32>
    %broadcast_in_dim3A_30 = vector.shape_cast %reduce_max3A_29 : vector<1024xf32> to vector<1024x1xf32>
    %eq3A_31 = vector.broadcast %broadcast_in_dim3A_30 : vector<1024x1xf32> to vector<1024x98xf32>
    %eq3A_32 = arith.cmpf oeq, %select_n3A_27, %eq3A_31 : vector<1024x98xf32>
    %jit3A_33 = arith.constant 1073741824 : i32
    %broadcast_in_dim3A_34 = vector.broadcast %jit3A_33 : i32 to vector<1024x98xi32>
    %select_n3A_35 = arith.select %eq3A_32, %iota3A, %broadcast_in_dim3A_34 : vector<1024x98xi1>, vector<1024x98xi32>
    %reduce_min3A_36 = arith.constant dense<2147483647> : vector<1024xi32>
    %reduce_min3A_37 = vector.multi_reduction <minsi>, %select_n3A_35, %reduce_min3A_36 [1] : vector<1024x98xi32> to vector<1024xi32>
    %broadcast_in_dim3A_38 = vector.shape_cast %reduce_min3A_37 : vector<1024xi32> to vector<1024x1xi32>
    %eq3A_39 = vector.broadcast %broadcast_in_dim3A_38 : vector<1024x1xi32> to vector<1024x98xi32>
    %eq3A_40 = arith.cmpi eq, %iota3A, %eq3A_39 : vector<1024x98xi32>
    %jit3A_41 = arith.constant -3.000000e+00 : f32
    %broadcast_in_dim3A_42 = vector.broadcast %jit3A_41 : f32 to vector<1024x98xf32>
    %select_n3A_43 = arith.select %eq3A_40, %broadcast_in_dim3A_42, %select_n3A_27 : vector<1024x98xi1>, vector<1024x98xf32>
    %reduce_max3A_44 = arith.constant dense<0xFF800000> : vector<1024xf32>
    %reduce_max3A_45 = vector.multi_reduction <maximumf>, %select_n3A_43, %reduce_max3A_44 [1] : vector<1024x98xf32> to vector<1024xf32>
    %broadcast_in_dim3A_46 = vector.shape_cast %reduce_max3A_45 : vector<1024xf32> to vector<1024x1xf32>
    %eq3A_47 = vector.broadcast %broadcast_in_dim3A_46 : vector<1024x1xf32> to vector<1024x98xf32>
    %eq3A_48 = arith.cmpf oeq, %select_n3A_43, %eq3A_47 : vector<1024x98xf32>
    %jit3A_49 = arith.constant 1073741824 : i32
    %broadcast_in_dim3A_50 = vector.broadcast %jit3A_49 : i32 to vector<1024x98xi32>
    %select_n3A_51 = arith.select %eq3A_48, %iota3A, %broadcast_in_dim3A_50 : vector<1024x98xi1>, vector<1024x98xi32>
    %reduce_min3A_52 = arith.constant dense<2147483647> : vector<1024xi32>
    %reduce_min3A_53 = vector.multi_reduction <minsi>, %select_n3A_51, %reduce_min3A_52 [1] : vector<1024x98xi32> to vector<1024xi32>
    %broadcast_in_dim3A_54 = vector.shape_cast %reduce_min3A_53 : vector<1024xi32> to vector<1024x1xi32>
    %eq3A_55 = vector.broadcast %broadcast_in_dim3A_54 : vector<1024x1xi32> to vector<1024x98xi32>
    %eq3A_56 = arith.cmpi eq, %iota3A, %eq3A_55 : vector<1024x98xi32>
    %jit3A_57 = arith.constant -3.000000e+00 : f32
    %broadcast_in_dim3A_58 = vector.broadcast %jit3A_57 : f32 to vector<1024x98xf32>
    %select_n3A_59 = arith.select %eq3A_56, %broadcast_in_dim3A_58, %select_n3A_43 : vector<1024x98xi1>, vector<1024x98xf32>
    %reduce_max3A_60 = arith.constant dense<0xFF800000> : vector<1024xf32>
    %reduce_max3A_61 = vector.multi_reduction <maximumf>, %select_n3A_59, %reduce_max3A_60 [1] : vector<1024x98xf32> to vector<1024xf32>
    %broadcast_in_dim3A_62 = vector.shape_cast %reduce_max3A_61 : vector<1024xf32> to vector<1024x1xf32>
    %eq3A_63 = vector.broadcast %broadcast_in_dim3A_62 : vector<1024x1xf32> to vector<1024x98xf32>
    %eq3A_64 = arith.cmpf oeq, %select_n3A_59, %eq3A_63 : vector<1024x98xf32>
    %jit3A_65 = arith.constant 1073741824 : i32
    %broadcast_in_dim3A_66 = vector.broadcast %jit3A_65 : i32 to vector<1024x98xi32>
    %select_n3A_67 = arith.select %eq3A_64, %iota3A, %broadcast_in_dim3A_66 : vector<1024x98xi1>, vector<1024x98xi32>
    %reduce_min3A_68 = arith.constant dense<2147483647> : vector<1024xi32>
    %reduce_min3A_69 = vector.multi_reduction <minsi>, %select_n3A_67, %reduce_min3A_68 [1] : vector<1024x98xi32> to vector<1024xi32>
    %broadcast_in_dim3A_70 = vector.shape_cast %reduce_min3A_69 : vector<1024xi32> to vector<1024x1xi32>
    %eq3A_71 = vector.broadcast %broadcast_in_dim3A_70 : vector<1024x1xi32> to vector<1024x98xi32>
    %eq3A_72 = arith.cmpi eq, %iota3A, %eq3A_71 : vector<1024x98xi32>
    %jit3A_73 = arith.constant -3.000000e+00 : f32
    %broadcast_in_dim3A_74 = vector.broadcast %jit3A_73 : f32 to vector<1024x98xf32>
    %select_n3A_75 = arith.select %eq3A_72, %broadcast_in_dim3A_74, %select_n3A_59 : vector<1024x98xi1>, vector<1024x98xf32>
    %reduce_max3A_76 = arith.constant dense<0xFF800000> : vector<1024xf32>
    %reduce_max3A_77 = vector.multi_reduction <maximumf>, %select_n3A_75, %reduce_max3A_76 [1] : vector<1024x98xf32> to vector<1024xf32>
    %broadcast_in_dim3A_78 = vector.shape_cast %reduce_max3A_77 : vector<1024xf32> to vector<1024x1xf32>
    %eq3A_79 = vector.broadcast %broadcast_in_dim3A_78 : vector<1024x1xf32> to vector<1024x98xf32>
    %eq3A_80 = arith.cmpf oeq, %select_n3A_75, %eq3A_79 : vector<1024x98xf32>
    %jit3A_81 = arith.constant 1073741824 : i32
    %broadcast_in_dim3A_82 = vector.broadcast %jit3A_81 : i32 to vector<1024x98xi32>
    %select_n3A_83 = arith.select %eq3A_80, %iota3A, %broadcast_in_dim3A_82 : vector<1024x98xi1>, vector<1024x98xi32>
    %reduce_min3A_84 = arith.constant dense<2147483647> : vector<1024xi32>
    %reduce_min3A_85 = vector.multi_reduction <minsi>, %select_n3A_83, %reduce_min3A_84 [1] : vector<1024x98xi32> to vector<1024xi32>
    %broadcast_in_dim3A_86 = vector.shape_cast %reduce_min3A_85 : vector<1024xi32> to vector<1024x1xi32>
    %eq3A_87 = vector.broadcast %broadcast_in_dim3A_86 : vector<1024x1xi32> to vector<1024x98xi32>
    %eq3A_88 = arith.cmpi eq, %iota3A, %eq3A_87 : vector<1024x98xi32>
    %jit3A_89 = arith.constant -3.000000e+00 : f32
    %broadcast_in_dim3A_90 = vector.broadcast %jit3A_89 : f32 to vector<1024x98xf32>
    %select_n3A_91 = arith.select %eq3A_88, %broadcast_in_dim3A_90, %select_n3A_75 : vector<1024x98xi1>, vector<1024x98xf32>
    %reduce_max3A_92 = arith.constant dense<0xFF800000> : vector<1024xf32>
    %reduce_max3A_93 = vector.multi_reduction <maximumf>, %select_n3A_91, %reduce_max3A_92 [1] : vector<1024x98xf32> to vector<1024xf32>
    %broadcast_in_dim3A_94 = vector.shape_cast %reduce_max3A_93 : vector<1024xf32> to vector<1024x1xf32>
    %eq3A_95 = vector.broadcast %broadcast_in_dim3A_94 : vector<1024x1xf32> to vector<1024x98xf32>
    %eq3A_96 = arith.cmpf oeq, %select_n3A_91, %eq3A_95 : vector<1024x98xf32>
    %jit3A_97 = arith.constant 1073741824 : i32
    %broadcast_in_dim3A_98 = vector.broadcast %jit3A_97 : i32 to vector<1024x98xi32>
    %select_n3A_99 = arith.select %eq3A_96, %iota3A, %broadcast_in_dim3A_98 : vector<1024x98xi1>, vector<1024x98xi32>
    %reduce_min3A_100 = arith.constant dense<2147483647> : vector<1024xi32>
    %reduce_min3A_101 = vector.multi_reduction <minsi>, %select_n3A_99, %reduce_min3A_100 [1] : vector<1024x98xi32> to vector<1024xi32>
    %broadcast_in_dim3A_102 = vector.shape_cast %reduce_min3A_101 : vector<1024xi32> to vector<1024x1xi32>
    %eq3A_103 = vector.broadcast %broadcast_in_dim3A_102 : vector<1024x1xi32> to vector<1024x98xi32>
    %eq3A_104 = arith.cmpi eq, %iota3A, %eq3A_103 : vector<1024x98xi32>
    %jit3A_105 = arith.constant -3.000000e+00 : f32
    %broadcast_in_dim3A_106 = vector.broadcast %jit3A_105 : f32 to vector<1024x98xf32>
    %select_n3A_107 = arith.select %eq3A_104, %broadcast_in_dim3A_106, %select_n3A_91 : vector<1024x98xi1>, vector<1024x98xf32>
    %reduce_max3A_108 = arith.constant dense<0xFF800000> : vector<1024xf32>
    %reduce_max3A_109 = vector.multi_reduction <maximumf>, %select_n3A_107, %reduce_max3A_108 [1] : vector<1024x98xf32> to vector<1024xf32>
    %broadcast_in_dim3A_110 = vector.shape_cast %reduce_max3A_109 : vector<1024xf32> to vector<1024x1xf32>
    %eq3A_111 = vector.broadcast %broadcast_in_dim3A_110 : vector<1024x1xf32> to vector<1024x98xf32>
    %eq3A_112 = arith.cmpf oeq, %select_n3A_107, %eq3A_111 : vector<1024x98xf32>
    %jit3A_113 = arith.constant 1073741824 : i32
    %broadcast_in_dim3A_114 = vector.broadcast %jit3A_113 : i32 to vector<1024x98xi32>
    %select_n3A_115 = arith.select %eq3A_112, %iota3A, %broadcast_in_dim3A_114 : vector<1024x98xi1>, vector<1024x98xi32>
    %reduce_min3A_116 = arith.constant dense<2147483647> : vector<1024xi32>
    %reduce_min3A_117 = vector.multi_reduction <minsi>, %select_n3A_115, %reduce_min3A_116 [1] : vector<1024x98xi32> to vector<1024xi32>
    %stack3A = vector.shape_cast %reduce_min3A_5 : vector<1024xi32> to vector<1x1024xi32>
    %stack3A_118 = vector.shape_cast %reduce_min3A_21 : vector<1024xi32> to vector<1x1024xi32>
    %stack3A_119 = vector.shape_cast %reduce_min3A_37 : vector<1024xi32> to vector<1x1024xi32>
    %stack3A_120 = vector.shape_cast %reduce_min3A_53 : vector<1024xi32> to vector<1x1024xi32>
    %stack3A_121 = vector.shape_cast %reduce_min3A_69 : vector<1024xi32> to vector<1x1024xi32>
    %stack3A_122 = vector.shape_cast %reduce_min3A_85 : vector<1024xi32> to vector<1x1024xi32>
    %stack3A_123 = vector.shape_cast %reduce_min3A_101 : vector<1024xi32> to vector<1x1024xi32>
    %stack3A_124 = vector.shape_cast %reduce_min3A_117 : vector<1024xi32> to vector<1x1024xi32>
    %stack3A_125 = tpu.concatenate %stack3A, %stack3A_118, %stack3A_119, %stack3A_120, %stack3A_121, %stack3A_122, %stack3A_123, %stack3A_124 in 0 : vector<1x1024xi32>, vector<1x1024xi32>, vector<1x1024xi32>, vector<1x1024xi32>, vector<1x1024xi32>, vector<1x1024xi32>, vector<1x1024xi32>, vector<1x1024xi32> -> vector<8x1024xi32>
    %swap3A = arith.constant 0 : index
    %swap3A_126 = arith.constant 0 : index
    %swap3A_127 = vector.load %arg1[%swap3A, %swap3A_126] : memref<8x1024xi32, #tpu.memory_space<vmem>>, vector<8x1024xi32>
    tpu.vector_store %arg1[%swap3A, %swap3A_126], %stack3A_125 {strides = array<i32>} : memref<8x1024xi32, #tpu.memory_space<vmem>>, vector<8x1024xi32>,
    %iota3A_128 = tpu.iota {dimensions = array<i32: 1>} : vector<8x1024xi32>
    %mul3A = arith.constant 1024 : i32
    %mul3A_129 = vector.broadcast %mul3A : i32 to vector<8x1024xi32>
    %mul3A_130 = arith.muli %stack3A_125, %mul3A_129 : vector<8x1024xi32>
    %add3A = arith.addi %mul3A_130, %iota3A_128 : vector<8x1024xi32>
    %swap3A_131 = arith.constant 0 : index
    %swap3A_132 = arith.constant 0 : index
    %swap3A_133 = vector.load %arg2[%swap3A_131, %swap3A_132] : memref<8x1024xi32, #tpu.memory_space<vmem>>, vector<8x1024xi32>
    tpu.vector_store %arg2[%swap3A_131, %swap3A_132], %add3A {strides = array<i32>} : memref<8x1024xi32, #tpu.memory_space<vmem>>, vector<8x1024xi32>,
    return
  }
}

module attributes {stable_mosaic.version = 14 : i64} {
  func.func @_final_kernel(%arg0: i32, %arg1: i32, %arg2: memref<512x1024xf32, #tpu.memory_space<vmem>>, %arg3: memref<64x8xi32, #tpu.memory_space<vmem>>, %arg4: memref<1x8x64xf32, #tpu.memory_space<vmem>>, %arg5: memref<1x8x64xi32, #tpu.memory_space<vmem>>) attributes {dimension_semantics = [#tpu.dimension_semantics<parallel>, #tpu.dimension_semantics<arbitrary>], iteration_bounds = array<i64: 2, 8>, scalar_prefetch = 0 : i64, scratch_operands = 0 : i64, tpu.core_type = #tpu.core_type<tc>, window_params = [{transform_indices = @transform_0, window_bounds = array<i64: 512, 1024>}, {transform_indices = @transform_1, window_bounds = array<i64: 64, 8>}, {transform_indices = @transform_2, window_bounds = array<i64: 1, 8, 64>}, {transform_indices = @transform_3, window_bounds = array<i64: 1, 8, 64>}]} {
    %get3A = arith.constant 0 : index
    %get3A_0 = arith.constant 0 : index
    %get3A_1 = vector.load %arg2[%get3A, %get3A_0] : memref<512x1024xf32, #tpu.memory_space<vmem>>, vector<512x1024xf32>
    %reshape3A = vector.shape_cast %get3A_1 : vector<512x1024xf32> to vector<64x8x1024xf32>
    %get3A_2 = arith.constant 0 : index
    %get3A_3 = arith.constant 0 : index
    %get3A_4 = vector.load %arg3[%get3A_2, %get3A_3] : memref<64x8xi32, #tpu.memory_space<vmem>>, vector<64x8xi32>
    %iota3A = tpu.iota {dimensions = array<i32: 2>} : vector<64x8x1024xi32>
    %broadcast_in_dim3A = vector.shape_cast %get3A_4 : vector<64x8xi32> to vector<64x8x1xi32>
    %mul3A = arith.constant 1024 : i32
    %mul3A_5 = vector.broadcast %mul3A : i32 to vector<64x8x1xi32>
    %mul3A_6 = arith.muli %broadcast_in_dim3A, %mul3A_5 : vector<64x8x1xi32>
    %add3A = vector.broadcast %mul3A_6 : vector<64x8x1xi32> to vector<64x8x1024xi32>
    %add3A_7 = arith.addi %add3A, %iota3A : vector<64x8x1024xi32>
    %reduce_max3A = arith.constant dense<0xFF800000> : vector<64x8xf32>
    %reduce_max3A_8 = vector.multi_reduction <maximumf>, %reshape3A, %reduce_max3A [2] : vector<64x8x1024xf32> to vector<64x8xf32>
    %reduce_max3A_9 = arith.constant dense<0xFF800000> : vector<64xf32>
    %reduce_max3A_10 = vector.multi_reduction <maximumf>, %reduce_max3A_8, %reduce_max3A_9 [1] : vector<64x8xf32> to vector<64xf32>
    %broadcast_in_dim3A_11 = vector.shape_cast %reduce_max3A_10 : vector<64xf32> to vector<64x1x1xf32>
    %eq3A = vector.broadcast %broadcast_in_dim3A_11 : vector<64x1x1xf32> to vector<64x8x1024xf32>
    %eq3A_12 = arith.cmpf oeq, %reshape3A, %eq3A : vector<64x8x1024xf32>
    %jit3A = arith.constant 1073741824 : i32
    %broadcast_in_dim3A_13 = vector.broadcast %jit3A : i32 to vector<64x8x1024xi32>
    %select_n3A = arith.select %eq3A_12, %add3A_7, %broadcast_in_dim3A_13 : vector<64x8x1024xi1>, vector<64x8x1024xi32>
    %reduce_min3A = arith.constant dense<2147483647> : vector<64x8xi32>
    %reduce_min3A_14 = vector.multi_reduction <minsi>, %select_n3A, %reduce_min3A [2] : vector<64x8x1024xi32> to vector<64x8xi32>
    %reduce_min3A_15 = arith.constant dense<2147483647> : vector<64xi32>
    %reduce_min3A_16 = vector.multi_reduction <minsi>, %reduce_min3A_14, %reduce_min3A_15 [1] : vector<64x8xi32> to vector<64xi32>
    %broadcast_in_dim3A_17 = vector.shape_cast %reduce_min3A_16 : vector<64xi32> to vector<64x1x1xi32>
    %eq3A_18 = vector.broadcast %broadcast_in_dim3A_17 : vector<64x1x1xi32> to vector<64x8x1024xi32>
    %eq3A_19 = arith.cmpi eq, %add3A_7, %eq3A_18 : vector<64x8x1024xi32>
    %jit3A_20 = arith.constant -3.000000e+00 : f32
    %broadcast_in_dim3A_21 = vector.broadcast %jit3A_20 : f32 to vector<64x8x1024xf32>
    %select_n3A_22 = arith.select %eq3A_19, %broadcast_in_dim3A_21, %reshape3A : vector<64x8x1024xi1>, vector<64x8x1024xf32>
    %reduce_max3A_23 = arith.constant dense<0xFF800000> : vector<64x8xf32>
    %reduce_max3A_24 = vector.multi_reduction <maximumf>, %select_n3A_22, %reduce_max3A_23 [2] : vector<64x8x1024xf32> to vector<64x8xf32>
    %reduce_max3A_25 = arith.constant dense<0xFF800000> : vector<64xf32>
    %reduce_max3A_26 = vector.multi_reduction <maximumf>, %reduce_max3A_24, %reduce_max3A_25 [1] : vector<64x8xf32> to vector<64xf32>
    %broadcast_in_dim3A_27 = vector.shape_cast %reduce_max3A_26 : vector<64xf32> to vector<64x1x1xf32>
    %eq3A_28 = vector.broadcast %broadcast_in_dim3A_27 : vector<64x1x1xf32> to vector<64x8x1024xf32>
    %eq3A_29 = arith.cmpf oeq, %select_n3A_22, %eq3A_28 : vector<64x8x1024xf32>
    %jit3A_30 = arith.constant 1073741824 : i32
    %broadcast_in_dim3A_31 = vector.broadcast %jit3A_30 : i32 to vector<64x8x1024xi32>
    %select_n3A_32 = arith.select %eq3A_29, %add3A_7, %broadcast_in_dim3A_31 : vector<64x8x1024xi1>, vector<64x8x1024xi32>
    %reduce_min3A_33 = arith.constant dense<2147483647> : vector<64x8xi32>
    %reduce_min3A_34 = vector.multi_reduction <minsi>, %select_n3A_32, %reduce_min3A_33 [2] : vector<64x8x1024xi32> to vector<64x8xi32>
    %reduce_min3A_35 = arith.constant dense<2147483647> : vector<64xi32>
    %reduce_min3A_36 = vector.multi_reduction <minsi>, %reduce_min3A_34, %reduce_min3A_35 [1] : vector<64x8xi32> to vector<64xi32>
    %broadcast_in_dim3A_37 = vector.shape_cast %reduce_min3A_36 : vector<64xi32> to vector<64x1x1xi32>
    %eq3A_38 = vector.broadcast %broadcast_in_dim3A_37 : vector<64x1x1xi32> to vector<64x8x1024xi32>
    %eq3A_39 = arith.cmpi eq, %add3A_7, %eq3A_38 : vector<64x8x1024xi32>
    %jit3A_40 = arith.constant -3.000000e+00 : f32
    %broadcast_in_dim3A_41 = vector.broadcast %jit3A_40 : f32 to vector<64x8x1024xf32>
    %select_n3A_42 = arith.select %eq3A_39, %broadcast_in_dim3A_41, %select_n3A_22 : vector<64x8x1024xi1>, vector<64x8x1024xf32>
    %reduce_max3A_43 = arith.constant dense<0xFF800000> : vector<64x8xf32>
    %reduce_max3A_44 = vector.multi_reduction <maximumf>, %select_n3A_42, %reduce_max3A_43 [2] : vector<64x8x1024xf32> to vector<64x8xf32>
    %reduce_max3A_45 = arith.constant dense<0xFF800000> : vector<64xf32>
    %reduce_max3A_46 = vector.multi_reduction <maximumf>, %reduce_max3A_44, %reduce_max3A_45 [1] : vector<64x8xf32> to vector<64xf32>
    %broadcast_in_dim3A_47 = vector.shape_cast %reduce_max3A_46 : vector<64xf32> to vector<64x1x1xf32>
    %eq3A_48 = vector.broadcast %broadcast_in_dim3A_47 : vector<64x1x1xf32> to vector<64x8x1024xf32>
    %eq3A_49 = arith.cmpf oeq, %select_n3A_42, %eq3A_48 : vector<64x8x1024xf32>
    %jit3A_50 = arith.constant 1073741824 : i32
    %broadcast_in_dim3A_51 = vector.broadcast %jit3A_50 : i32 to vector<64x8x1024xi32>
    %select_n3A_52 = arith.select %eq3A_49, %add3A_7, %broadcast_in_dim3A_51 : vector<64x8x1024xi1>, vector<64x8x1024xi32>
    %reduce_min3A_53 = arith.constant dense<2147483647> : vector<64x8xi32>
    %reduce_min3A_54 = vector.multi_reduction <minsi>, %select_n3A_52, %reduce_min3A_53 [2] : vector<64x8x1024xi32> to vector<64x8xi32>
    %reduce_min3A_55 = arith.constant dense<2147483647> : vector<64xi32>
    %reduce_min3A_56 = vector.multi_reduction <minsi>, %reduce_min3A_54, %reduce_min3A_55 [1] : vector<64x8xi32> to vector<64xi32>
    %broadcast_in_dim3A_57 = vector.shape_cast %reduce_min3A_56 : vector<64xi32> to vector<64x1x1xi32>
    %eq3A_58 = vector.broadcast %broadcast_in_dim3A_57 : vector<64x1x1xi32> to vector<64x8x1024xi32>
    %eq3A_59 = arith.cmpi eq, %add3A_7, %eq3A_58 : vector<64x8x1024xi32>
    %jit3A_60 = arith.constant -3.000000e+00 : f32
    %broadcast_in_dim3A_61 = vector.broadcast %jit3A_60 : f32 to vector<64x8x1024xf32>
    %select_n3A_62 = arith.select %eq3A_59, %broadcast_in_dim3A_61, %select_n3A_42 : vector<64x8x1024xi1>, vector<64x8x1024xf32>
    %reduce_max3A_63 = arith.constant dense<0xFF800000> : vector<64x8xf32>
    %reduce_max3A_64 = vector.multi_reduction <maximumf>, %select_n3A_62, %reduce_max3A_63 [2] : vector<64x8x1024xf32> to vector<64x8xf32>
    %reduce_max3A_65 = arith.constant dense<0xFF800000> : vector<64xf32>
    %reduce_max3A_66 = vector.multi_reduction <maximumf>, %reduce_max3A_64, %reduce_max3A_65 [1] : vector<64x8xf32> to vector<64xf32>
    %broadcast_in_dim3A_67 = vector.shape_cast %reduce_max3A_66 : vector<64xf32> to vector<64x1x1xf32>
    %eq3A_68 = vector.broadcast %broadcast_in_dim3A_67 : vector<64x1x1xf32> to vector<64x8x1024xf32>
    %eq3A_69 = arith.cmpf oeq, %select_n3A_62, %eq3A_68 : vector<64x8x1024xf32>
    %jit3A_70 = arith.constant 1073741824 : i32
    %broadcast_in_dim3A_71 = vector.broadcast %jit3A_70 : i32 to vector<64x8x1024xi32>
    %select_n3A_72 = arith.select %eq3A_69, %add3A_7, %broadcast_in_dim3A_71 : vector<64x8x1024xi1>, vector<64x8x1024xi32>
    %reduce_min3A_73 = arith.constant dense<2147483647> : vector<64x8xi32>
    %reduce_min3A_74 = vector.multi_reduction <minsi>, %select_n3A_72, %reduce_min3A_73 [2] : vector<64x8x1024xi32> to vector<64x8xi32>
    %reduce_min3A_75 = arith.constant dense<2147483647> : vector<64xi32>
    %reduce_min3A_76 = vector.multi_reduction <minsi>, %reduce_min3A_74, %reduce_min3A_75 [1] : vector<64x8xi32> to vector<64xi32>
    %broadcast_in_dim3A_77 = vector.shape_cast %reduce_min3A_76 : vector<64xi32> to vector<64x1x1xi32>
    %eq3A_78 = vector.broadcast %broadcast_in_dim3A_77 : vector<64x1x1xi32> to vector<64x8x1024xi32>
    %eq3A_79 = arith.cmpi eq, %add3A_7, %eq3A_78 : vector<64x8x1024xi32>
    %jit3A_80 = arith.constant -3.000000e+00 : f32
    %broadcast_in_dim3A_81 = vector.broadcast %jit3A_80 : f32 to vector<64x8x1024xf32>
    %select_n3A_82 = arith.select %eq3A_79, %broadcast_in_dim3A_81, %select_n3A_62 : vector<64x8x1024xi1>, vector<64x8x1024xf32>
    %reduce_max3A_83 = arith.constant dense<0xFF800000> : vector<64x8xf32>
    %reduce_max3A_84 = vector.multi_reduction <maximumf>, %select_n3A_82, %reduce_max3A_83 [2] : vector<64x8x1024xf32> to vector<64x8xf32>
    %reduce_max3A_85 = arith.constant dense<0xFF800000> : vector<64xf32>
    %reduce_max3A_86 = vector.multi_reduction <maximumf>, %reduce_max3A_84, %reduce_max3A_85 [1] : vector<64x8xf32> to vector<64xf32>
    %broadcast_in_dim3A_87 = vector.shape_cast %reduce_max3A_86 : vector<64xf32> to vector<64x1x1xf32>
    %eq3A_88 = vector.broadcast %broadcast_in_dim3A_87 : vector<64x1x1xf32> to vector<64x8x1024xf32>
    %eq3A_89 = arith.cmpf oeq, %select_n3A_82, %eq3A_88 : vector<64x8x1024xf32>
    %jit3A_90 = arith.constant 1073741824 : i32
    %broadcast_in_dim3A_91 = vector.broadcast %jit3A_90 : i32 to vector<64x8x1024xi32>
    %select_n3A_92 = arith.select %eq3A_89, %add3A_7, %broadcast_in_dim3A_91 : vector<64x8x1024xi1>, vector<64x8x1024xi32>
    %reduce_min3A_93 = arith.constant dense<2147483647> : vector<64x8xi32>
    %reduce_min3A_94 = vector.multi_reduction <minsi>, %select_n3A_92, %reduce_min3A_93 [2] : vector<64x8x1024xi32> to vector<64x8xi32>
    %reduce_min3A_95 = arith.constant dense<2147483647> : vector<64xi32>
    %reduce_min3A_96 = vector.multi_reduction <minsi>, %reduce_min3A_94, %reduce_min3A_95 [1] : vector<64x8xi32> to vector<64xi32>
    %broadcast_in_dim3A_97 = vector.shape_cast %reduce_min3A_96 : vector<64xi32> to vector<64x1x1xi32>
    %eq3A_98 = vector.broadcast %broadcast_in_dim3A_97 : vector<64x1x1xi32> to vector<64x8x1024xi32>
    %eq3A_99 = arith.cmpi eq, %add3A_7, %eq3A_98 : vector<64x8x1024xi32>
    %jit3A_100 = arith.constant -3.000000e+00 : f32
    %broadcast_in_dim3A_101 = vector.broadcast %jit3A_100 : f32 to vector<64x8x1024xf32>
    %select_n3A_102 = arith.select %eq3A_99, %broadcast_in_dim3A_101, %select_n3A_82 : vector<64x8x1024xi1>, vector<64x8x1024xf32>
    %reduce_max3A_103 = arith.constant dense<0xFF800000> : vector<64x8xf32>
    %reduce_max3A_104 = vector.multi_reduction <maximumf>, %select_n3A_102, %reduce_max3A_103 [2] : vector<64x8x1024xf32> to vector<64x8xf32>
    %reduce_max3A_105 = arith.constant dense<0xFF800000> : vector<64xf32>
    %reduce_max3A_106 = vector.multi_reduction <maximumf>, %reduce_max3A_104, %reduce_max3A_105 [1] : vector<64x8xf32> to vector<64xf32>
    %broadcast_in_dim3A_107 = vector.shape_cast %reduce_max3A_106 : vector<64xf32> to vector<64x1x1xf32>
    %eq3A_108 = vector.broadcast %broadcast_in_dim3A_107 : vector<64x1x1xf32> to vector<64x8x1024xf32>
    %eq3A_109 = arith.cmpf oeq, %select_n3A_102, %eq3A_108 : vector<64x8x1024xf32>
    %jit3A_110 = arith.constant 1073741824 : i32
    %broadcast_in_dim3A_111 = vector.broadcast %jit3A_110 : i32 to vector<64x8x1024xi32>
    %select_n3A_112 = arith.select %eq3A_109, %add3A_7, %broadcast_in_dim3A_111 : vector<64x8x1024xi1>, vector<64x8x1024xi32>
    %reduce_min3A_113 = arith.constant dense<2147483647> : vector<64x8xi32>
    %reduce_min3A_114 = vector.multi_reduction <minsi>, %select_n3A_112, %reduce_min3A_113 [2] : vector<64x8x1024xi32> to vector<64x8xi32>
    %reduce_min3A_115 = arith.constant dense<2147483647> : vector<64xi32>
    %reduce_min3A_116 = vector.multi_reduction <minsi>, %reduce_min3A_114, %reduce_min3A_115 [1] : vector<64x8xi32> to vector<64xi32>
    %broadcast_in_dim3A_117 = vector.shape_cast %reduce_min3A_116 : vector<64xi32> to vector<64x1x1xi32>
    %eq3A_118 = vector.broadcast %broadcast_in_dim3A_117 : vector<64x1x1xi32> to vector<64x8x1024xi32>
    %eq3A_119 = arith.cmpi eq, %add3A_7, %eq3A_118 : vector<64x8x1024xi32>
    %jit3A_120 = arith.constant -3.000000e+00 : f32
    %broadcast_in_dim3A_121 = vector.broadcast %jit3A_120 : f32 to vector<64x8x1024xf32>
    %select_n3A_122 = arith.select %eq3A_119, %broadcast_in_dim3A_121, %select_n3A_102 : vector<64x8x1024xi1>, vector<64x8x1024xf32>
    %reduce_max3A_123 = arith.constant dense<0xFF800000> : vector<64x8xf32>
    %reduce_max3A_124 = vector.multi_reduction <maximumf>, %select_n3A_122, %reduce_max3A_123 [2] : vector<64x8x1024xf32> to vector<64x8xf32>
    %reduce_max3A_125 = arith.constant dense<0xFF800000> : vector<64xf32>
    %reduce_max3A_126 = vector.multi_reduction <maximumf>, %reduce_max3A_124, %reduce_max3A_125 [1] : vector<64x8xf32> to vector<64xf32>
    %broadcast_in_dim3A_127 = vector.shape_cast %reduce_max3A_126 : vector<64xf32> to vector<64x1x1xf32>
    %eq3A_128 = vector.broadcast %broadcast_in_dim3A_127 : vector<64x1x1xf32> to vector<64x8x1024xf32>
    %eq3A_129 = arith.cmpf oeq, %select_n3A_122, %eq3A_128 : vector<64x8x1024xf32>
    %jit3A_130 = arith.constant 1073741824 : i32
    %broadcast_in_dim3A_131 = vector.broadcast %jit3A_130 : i32 to vector<64x8x1024xi32>
    %select_n3A_132 = arith.select %eq3A_129, %add3A_7, %broadcast_in_dim3A_131 : vector<64x8x1024xi1>, vector<64x8x1024xi32>
    %reduce_min3A_133 = arith.constant dense<2147483647> : vector<64x8xi32>
    %reduce_min3A_134 = vector.multi_reduction <minsi>, %select_n3A_132, %reduce_min3A_133 [2] : vector<64x8x1024xi32> to vector<64x8xi32>
    %reduce_min3A_135 = arith.constant dense<2147483647> : vector<64xi32>
    %reduce_min3A_136 = vector.multi_reduction <minsi>, %reduce_min3A_134, %reduce_min3A_135 [1] : vector<64x8xi32> to vector<64xi32>
    %broadcast_in_dim3A_137 = vector.shape_cast %reduce_min3A_136 : vector<64xi32> to vector<64x1x1xi32>
    %eq3A_138 = vector.broadcast %broadcast_in_dim3A_137 : vector<64x1x1xi32> to vector<64x8x1024xi32>
    %eq3A_139 = arith.cmpi eq, %add3A_7, %eq3A_138 : vector<64x8x1024xi32>
    %jit3A_140 = arith.constant -3.000000e+00 : f32
    %broadcast_in_dim3A_141 = vector.broadcast %jit3A_140 : f32 to vector<64x8x1024xf32>
    %select_n3A_142 = arith.select %eq3A_139, %broadcast_in_dim3A_141, %select_n3A_122 : vector<64x8x1024xi1>, vector<64x8x1024xf32>
    %reduce_max3A_143 = arith.constant dense<0xFF800000> : vector<64x8xf32>
    %reduce_max3A_144 = vector.multi_reduction <maximumf>, %select_n3A_142, %reduce_max3A_143 [2] : vector<64x8x1024xf32> to vector<64x8xf32>
    %reduce_max3A_145 = arith.constant dense<0xFF800000> : vector<64xf32>
    %reduce_max3A_146 = vector.multi_reduction <maximumf>, %reduce_max3A_144, %reduce_max3A_145 [1] : vector<64x8xf32> to vector<64xf32>
    %broadcast_in_dim3A_147 = vector.shape_cast %reduce_max3A_146 : vector<64xf32> to vector<64x1x1xf32>
    %eq3A_148 = vector.broadcast %broadcast_in_dim3A_147 : vector<64x1x1xf32> to vector<64x8x1024xf32>
    %eq3A_149 = arith.cmpf oeq, %select_n3A_142, %eq3A_148 : vector<64x8x1024xf32>
    %jit3A_150 = arith.constant 1073741824 : i32
    %broadcast_in_dim3A_151 = vector.broadcast %jit3A_150 : i32 to vector<64x8x1024xi32>
    %select_n3A_152 = arith.select %eq3A_149, %add3A_7, %broadcast_in_dim3A_151 : vector<64x8x1024xi1>, vector<64x8x1024xi32>
    %reduce_min3A_153 = arith.constant dense<2147483647> : vector<64x8xi32>
    %reduce_min3A_154 = vector.multi_reduction <minsi>, %select_n3A_152, %reduce_min3A_153 [2] : vector<64x8x1024xi32> to vector<64x8xi32>
    %reduce_min3A_155 = arith.constant dense<2147483647> : vector<64xi32>
    %reduce_min3A_156 = vector.multi_reduction <minsi>, %reduce_min3A_154, %reduce_min3A_155 [1] : vector<64x8xi32> to vector<64xi32>
    %stack3A = vector.shape_cast %reduce_max3A_10 : vector<64xf32> to vector<1x64xf32>
    %stack3A_157 = vector.shape_cast %reduce_max3A_26 : vector<64xf32> to vector<1x64xf32>
    %stack3A_158 = vector.shape_cast %reduce_max3A_46 : vector<64xf32> to vector<1x64xf32>
    %stack3A_159 = vector.shape_cast %reduce_max3A_66 : vector<64xf32> to vector<1x64xf32>
    %stack3A_160 = vector.shape_cast %reduce_max3A_86 : vector<64xf32> to vector<1x64xf32>
    %stack3A_161 = vector.shape_cast %reduce_max3A_106 : vector<64xf32> to vector<1x64xf32>
    %stack3A_162 = vector.shape_cast %reduce_max3A_126 : vector<64xf32> to vector<1x64xf32>
    %stack3A_163 = vector.shape_cast %reduce_max3A_146 : vector<64xf32> to vector<1x64xf32>
    %stack3A_164 = tpu.concatenate %stack3A, %stack3A_157, %stack3A_158, %stack3A_159, %stack3A_160, %stack3A_161, %stack3A_162, %stack3A_163 in 0 : vector<1x64xf32>, vector<1x64xf32>, vector<1x64xf32>, vector<1x64xf32>, vector<1x64xf32>, vector<1x64xf32>, vector<1x64xf32>, vector<1x64xf32> -> vector<8x64xf32>
    %swap3A = arith.constant 0 : index
    %swap3A_165 = arith.constant 0 : index
    %swap3A_166 = arith.constant 0 : index
    %swap3A_167 = vector.load %arg4[%swap3A, %swap3A_165, %swap3A_166] : memref<1x8x64xf32, #tpu.memory_space<vmem>>, vector<1x8x64xf32>
    %swap3A_168 = vector.shape_cast %swap3A_167 : vector<1x8x64xf32> to vector<8x64xf32>
    %swap3A_169 = vector.shape_cast %stack3A_164 : vector<8x64xf32> to vector<1x8x64xf32>
    tpu.vector_store %arg4[%swap3A, %swap3A_165, %swap3A_166], %swap3A_169 {strides = array<i32>} : memref<1x8x64xf32, #tpu.memory_space<vmem>>, vector<1x8x64xf32>,
    %stack3A_170 = vector.shape_cast %reduce_min3A_16 : vector<64xi32> to vector<1x64xi32>
    %stack3A_171 = vector.shape_cast %reduce_min3A_36 : vector<64xi32> to vector<1x64xi32>
    %stack3A_172 = vector.shape_cast %reduce_min3A_56 : vector<64xi32> to vector<1x64xi32>
    %stack3A_173 = vector.shape_cast %reduce_min3A_76 : vector<64xi32> to vector<1x64xi32>
    %stack3A_174 = vector.shape_cast %reduce_min3A_96 : vector<64xi32> to vector<1x64xi32>
    %stack3A_175 = vector.shape_cast %reduce_min3A_116 : vector<64xi32> to vector<1x64xi32>
    %stack3A_176 = vector.shape_cast %reduce_min3A_136 : vector<64xi32> to vector<1x64xi32>
    %stack3A_177 = vector.shape_cast %reduce_min3A_156 : vector<64xi32> to vector<1x64xi32>
    %stack3A_178 = tpu.concatenate %stack3A_170, %stack3A_171, %stack3A_172, %stack3A_173, %stack3A_174, %stack3A_175, %stack3A_176, %stack3A_177 in 0 : vector<1x64xi32>, vector<1x64xi32>, vector<1x64xi32>, vector<1x64xi32>, vector<1x64xi32>, vector<1x64xi32>, vector<1x64xi32>, vector<1x64xi32> -> vector<8x64xi32>
    %swap3A_179 = arith.constant 0 : index
    %swap3A_180 = arith.constant 0 : index
    %swap3A_181 = arith.constant 0 : index
    %swap3A_182 = vector.load %arg5[%swap3A_179, %swap3A_180, %swap3A_181] : memref<1x8x64xi32, #tpu.memory_space<vmem>>, vector<1x8x64xi32>
    %swap3A_183 = vector.shape_cast %swap3A_182 : vector<1x8x64xi32> to vector<8x64xi32>
    %swap3A_184 = vector.shape_cast %stack3A_178 : vector<8x64xi32> to vector<1x8x64xi32>
    tpu.vector_store %arg5[%swap3A_179, %swap3A_180, %swap3A_181], %swap3A_184 {strides = array<i32>} : memref<1x8x64xi32, #tpu.memory_space<vmem>>, vector<1x8x64xi32>,
    return
  }
  func.func @transform_0(%arg0: i32, %arg1: i32) -> (i32, i32) {
    %mul3A = arith.constant 8 : i32
    %mul3A_0 = arith.muli %arg0, %mul3A : i32
    %add3A = arith.addi %mul3A_0, %arg1 : i32
    %c0_i32 = arith.constant 0 : i32
    %c0_i32_1 = arith.constant 0 : i32
    return %add3A, %c0_i32 : i32, i32
  }
  func.func @transform_1(%arg0: i32, %arg1: i32) -> (i32, i32) {
    %mul3A = arith.constant 8 : i32
    %mul3A_0 = arith.muli %arg0, %mul3A : i32
    %add3A = arith.addi %mul3A_0, %arg1 : i32
    %c0_i32 = arith.constant 0 : i32
    %c0_i32_1 = arith.constant 0 : i32
    return %add3A, %c0_i32 : i32, i32
  }
  func.func @transform_2(%arg0: i32, %arg1: i32) -> (i32, i32, i32) {
    %mul3A = arith.constant 8 : i32
    %mul3A_0 = arith.muli %arg0, %mul3A : i32
    %add3A = arith.addi %mul3A_0, %arg1 : i32
    %c0_i32 = arith.constant 0 : i32
    %c0_i32_1 = arith.constant 0 : i32
    %c0_i32_2 = arith.constant 0 : i32
    return %add3A, %c0_i32, %c0_i32_1 : i32, i32, i32
  }
  func.func @transform_3(%arg0: i32, %arg1: i32) -> (i32, i32, i32) {
    %mul3A = arith.constant 8 : i32
    %mul3A_0 = arith.muli %arg0, %mul3A : i32
    %add3A = arith.addi %mul3A_0, %arg1 : i32
    %c0_i32 = arith.constant 0 : i32
    %c0_i32_1 = arith.constant 0 : i32
    %c0_i32_2 = arith.constant 0 : i32
    return %add3A, %c0_i32, %c0_i32_1 : i32, i32, i32
  }
}

</mosaic_0001>

<sc_bundles>
// kernel: kernel.7.cloned.1.call-start
scs
__scs_entry_jumppad:
0x0: {  	(pc) =	sbr.rel $0x88, $3  }
0x1: {  	(tag) =	ssettag $0x0;
	lr =	simm.s32 $0x1  }
0x2: {  	[smem:$0x3F9F] =	sst lr;
	_ =	strace $0xD0000000  }
0x3: {  	_ = 	snop  }
0x4: {  	_ = 	snop  }
0x5: {  	_ = 	snop  }
0x6: {  	_ = 	snop  }
0x7: {  	_ = 	snop  }
__scs_overlays_trampoline_lowered:
0x8: {  	[smem:$0x3FAE] =	sst s0  }
0x9: {  	[smem:$0x3FAF] =	sst s1  }
0xa: {  	[smem:$0x3FB0] =	sst s2  }
0xb: {  	[smem:$0x3FB1] =	sst s3  }
0xc: {  	[smem:$0x3FB2] =	sst s4  }
0xd: {  	[smem:$0x3FB3] =	sst s5  }
0xe: {  	[smem:$0x3FB4] =	sst s6  }
0xf: {  	[smem:$0x3FB5] =	sst s7  }
0x10: {  	[smem:$0x3FB6] =	sst s8  }
0x11: {  	[smem:$0x3FB7] =	sst s9;
	s0 =	simm.s32 @!p0 $0x0  }
0x12: {  	s1 =	sld [smem:$0x3F9D];
	s0 =	simm.s32 @p0 $0x1  }
0x13: {  	[smem:$0x3FB8] =	sst s0;
	s0 =	simm.s32 @!p1 $0x0  }
0x14: {  	s2 =	sld [smem:$0x3F9C];
	s0 =	simm.s32 @p1 $0x1  }
0x15: {  	[smem:$0x3FB9] =	sst s0;
	s0 =	simm.s32 @!p2 $0x0  }
0x16: {  	s3 =	sld [smem:$0x3FDB];
	s0 =	simm.s32 @p2 $0x1  }
0x17: {  	s4 =	simm.s32 $0x1BF5;
	[smem:$0x3FBB] =	sst s0  }
0x18: {  	s0 =	sld [smem:$0x3F9E];
	_ =	swait.ge [sflag:s4], $0x0  }
0x19: {  	s7 =	sld [smem:$0x3F9F]  }
0x1a: {  	s8 =	sadd.s32 $0xFFFFE003, lr  }
0x1b: {  	s9 =	sadd.s32 $0xFFFFFEF7, lr;
	s5 =	simm.s32 $0xFFFFFFFF;
	p2 =	slt.u32 s8, $0xFFFFF086  }
0x1c: {  	p1 =	slt.u32 s9, $0xF7A;
	s5 =	simm.s32 @!p2 $0x0  }
0x1d: {  	s5 =	simm.s32 @p1 $0x1;
	p0 =	seq.s32 s7, s2  }
0x1e: {  	s7 =	smul.u32 @!p0 $0xF7A, s2;
	p2 =	seq.s32 @!p0 s5, $0x0  }
0x1f: {  	s9 =	smul.u32 $0xF7A, s1;
	s8 =	simm.s32 @!p0 $0x1BF5;
	p2 =	por !p2, p0  }
0x20: {  	[sflag:s8] =	ssyncset.s32 @!p0 $0xFFFFF086;
	s6 =	sadd.s32 @!p0 s3, s7;
	s7 =	simm.s32 @!p0 $0x108  }
0x21: {  	s3 =	sadd.s32 s3, s9;
	s6 =	sadd.s32 @!p0 $0x88, s6;
	s7 =	simm.s32 @p2 $0x1082  }
0x22: {  	[simem:s7], [sflag:s8] =	dma.local @!p0 [hbm:s6], $0xF7A  }
0x23: {  	s9 =	sor.u32 $0xD0000000, s2;
	s6 =	simm.s32 $0x108;
	_ =	swait.ge @!p0 [sflag:s8], $0x0  }
0x24: {  	s3 =	sadd.s32 $0x88, s3;
	s6 =	simm.s32 @!p1 $0x1082;
	[sflag:s4] =	ssyncset.s32 $0xFFFFF086  }
0x25: {  	[simem:s6], [sflag:s4] =	dma.local [hbm:s3], $0xF7A  }
0x26: {  	[smem:$0x3F9F] =	sst s1;
	(tag) =	ssettag s2;
	_ =	strace s9  }
0x27: {  	s1 =	sld [smem:$0x3FAF]  }
0x28: {  	s2 =	sld [smem:$0x3FB0]  }
0x29: {  	s4 =	sld [smem:$0x3FB2]  }
0x2a: {  	p0 =	seq.s32 s5, $0x0;
	s5 =	sld [smem:$0x3FB3]  }
0x2b: {  	s6 =	sld [smem:$0x3FB4]  }
0x2c: {  	s7 =	sld [smem:$0x3FB5]  }
0x2d: {  	s3 =	simm.s32 $0x108;
	s8 =	sld [smem:$0x3FB6]  }
0x2e: {  	s3 =	simm.s32 @!p0 $0x1082;
	s9 =	sld [smem:$0x3FB7]  }
0x2f: {  	lr =	sadd.s32 s0, s3;
	s0 =	sld [smem:$0x3FAE]  }
0x30: {  	s3 =	sld [smem:$0x3FB1]  }
0x31: {  	[smem:$0x3FBA] =	sst s10  }
0x32: {  	s10 =	sld [smem:$0x3FB8];
	_ =	sdelay $0x3  }
0x33: {  	p0 =	seq.s32 s10, $0x1;
	s10 =	sld [smem:$0x3FBA];
	_ =	sdelay $0x3  }
0x34: {  	[smem:$0x3FBA] =	sst s10  }
0x35: {  	s10 =	sld [smem:$0x3FB9];
	_ =	sdelay $0x3  }
0x36: {  	p1 =	seq.s32 s10, $0x1;
	s10 =	sld [smem:$0x3FBA];
	_ =	sdelay $0x3  }
0x37: {  	[smem:$0x3FBA] =	sst s10  }
0x38: {  	s10 =	sld [smem:$0x3FBB]  }
0x39: {  	_ = 	snop;
	(pc) =	sbr.ind lr, $3  }
0x3a: {  	_ = 	snop  }
0x3b: {  	_ = 	snop  }
0x3c: {  	p2 =	seq.s32 s10, $0x1;
	s10 =	sld [smem:$0x3FBA]  }
0x3d: {  	_ =	shalt  }
0x3e: {  	_ =	shalt  }
0x3f: {  	_ =	shalt  }
0x40: {  	_ =	shalt  }
0x41: {  	_ =	shalt  }
0x42: {  	_ =	shalt  }
0x43: {  	_ =	shalt  }
0x44: {  	_ =	shalt  }
0x45: {  	_ =	shalt  }
0x46: {  	_ =	shalt  }
0x47: {  	_ =	shalt  }
0x48: {  	_ =	shalt  }
0x49: {  	_ =	shalt  }
0x4a: {  	_ =	shalt  }
0x4b: {  	_ =	shalt  }
0x4c: {  	_ =	shalt  }
0x4d: {  	_ =	shalt  }
0x4e: {  	_ =	shalt  }
0x4f: {  	_ =	shalt  }
0x50: {  	_ =	shalt  }
0x51: {  	_ =	shalt  }
0x52: {  	_ =	shalt  }
0x53: {  	_ =	shalt  }
0x54: {  	_ =	shalt  }
0x55: {  	_ =	shalt  }
0x56: {  	_ =	shalt  }
0x57: {  	_ =	shalt  }
0x58: {  	_ =	shalt  }
0x59: {  	_ =	shalt  }
0x5a: {  	_ =	shalt  }
0x5b: {  	_ =	shalt  }
0x5c: {  	_ =	shalt  }
0x5d: {  	_ =	shalt  }
0x5e: {  	_ =	shalt  }
0x5f: {  	_ =	shalt  }
0x60: {  	_ =	shalt  }
0x61: {  	_ =	shalt  }
0x62: {  	_ =	shalt  }
0x63: {  	_ =	shalt  }
0x64: {  	_ =	shalt  }
0x65: {  	_ =	shalt  }
0x66: {  	_ =	shalt  }
0x67: {  	_ =	shalt  }
0x68: {  	_ =	shalt  }
0x69: {  	_ =	shalt  }
0x6a: {  	_ =	shalt  }
0x6b: {  	_ =	shalt  }
0x6c: {  	_ =	shalt  }
0x6d: {  	_ =	shalt  }
0x6e: {  	_ =	shalt  }
0x6f: {  	_ =	shalt  }
0x70: {  	_ =	shalt  }
0x71: {  	_ =	shalt  }
0x72: {  	_ =	shalt  }
0x73: {  	_ =	shalt  }
0x74: {  	_ =	shalt  }
0x75: {  	_ =	shalt  }
0x76: {  	_ =	shalt  }
0x77: {  	_ =	shalt  }
0x78: {  	_ =	shalt  }
0x79: {  	_ =	shalt  }
0x7a: {  	_ =	shalt  }
0x7b: {  	_ =	shalt  }
0x7c: {  	_ =	shalt  }
0x7d: {  	_ =	shalt  }
0x7e: {  	_ =	shalt  }
0x7f: {  	_ =	shalt  }
0x80: {  	_ =	shalt  }
0x81: {  	_ =	shalt  }
0x82: {  	_ =	shalt  }
0x83: {  	_ =	shalt  }
0x84: {  	_ =	shalt  }
0x85: {  	_ =	shalt  }
0x86: {  	_ =	shalt  }
0x87: {  	_ =	shalt  }
.Lfunc_end0:
.L_simem_size_0:
called_computation_lowered:
.L_overlay_start_0:
0x88: {  	s2 =	sld [smem:$0x3FD9]  }
0x89: {  	s3 =	sld [smem:$0x3FFE];
	_ =	sdelay $0x1  }
0x8a: {  	s1 =	srdreg.scid  }
0x8b: {  	s0 =	sand.u32 $0x1, s1  }
0x8c: {  	s14 =	sshll.u32 s0, $0xA;
	s2 =	sadd.s32 s3, s2  }
0x8d: {  	s2 =	sadd.s32 s2, s14  }
0x8e: {  	[smem:$0x3FC6] =	sst s2  }
0x8f: {  	_ = 	snop  }
0x90: {  	s2 =	sld [smem:$0x3FD0];
	_ =	sdelay $0x2  }
0x91: {  	s15 =	simm.s32 $0xA;
	s4 =	simm.s32 $0x10  }
0x92: {  	[smem:s4], [sflag:s15] =	dma.local [hbm:s2], $0x1  }
0x93: {  	_ =	swait.eq [sflag:s15], $0x1  }
0x94: {  	[sflag:s15] =	ssyncset.done $0x0  }
0x95: {  	[sflag:s15] =	ssyncadd.s32 $0xFFFFFFFF  }
0x96: {  	s16 =	sld [smem:$0x12];
	(tm) =	ssettm $0x1  }
0x97: {  	s17 =	sld [smem:$0x3FFB];
	_ =	sdelay $0x3  }
0x98: {  	_ =	strace s17  }
0x99: {  	s3 =	sld [smem:$0x3FFC];
	_ =	sdelay $0x3  }
0x9a: {  	_ =	strace s3  }
0x9b: {  	s3 =	sld [smem:$0x3FFD];
	_ =	sdelay $0x3  }
0x9c: {  	_ =	strace s3  }
0x9d: {  	_ =	strace $0x8FFFFFFF  }
0x9e: {  	s18 =	sld [smem:$0x3FDB];
	_ =	sdelay $0x1  }
0x9f: {  	s19 =	simm.s32 $_scs_section_size  }
0xa0: {  	s5 =	simm.s32 $_size__tile_overlayer_lowered;
	s6 =	simm.s32 $_tile_overlayer_lowered  }
0xa1: {  	s22 =	simm.s32 $0x1BFF;
	s21 =	sshll.u32 s6, $0x1;
	s3 =	sadd.s32 s19, s18  }
0xa2: {  	s7 =	simm.s32 $0x0;
	s20 =	sshll.u32 s5, $0x1;
	s5 =	sadd.s32 s21, s3  }
0xa3: {  	[timem:s7], [sflag:s22] =	dma.local [hbm:s5], s20  }
0xa4: {  	_ =	swait.ge [sflag:s22], s20  }
0xa5: {  	s4 =	ssub.s32 $0x0, s20;
	[sflag:s22] =	ssyncset.done $0x0  }
0xa6: {  	[sflag:s22] =	ssyncadd.s32 s4;
	_ =	sdelay $0x1  }
0xa7: {  	s23 =	simm.s32 $0x1B8B  }
0xa8: {  	_ =	swait.ge [sflag:s23], $0x1  }
0xa9: {  	[sflag:s23] =	ssyncset.done $0x0  }
0xaa: {  	s25 =	simm.s32 $0x1B8E;
	s24 =	sld [smem:$0x3FFE];
	[sflag:s23] =	ssyncadd.s32 $0xFFFFFFFF  }
0xab: {  	s26 =	simm.s32 $execute0_lowered;
	[smem:$0x3FD2] =	sst s25  }
0xac: {  	s5 =	sshll.u32 s26, $0x1;
	_ =	strace $0x80000046;
	[dreg:$0x1] =	wrdreg $0xFFFFFFFF  }
0xad: {  	s28 =	simm.s32 $_size_execute0_lowered;
	s3 =	sadd.s32 s3, s5;
	[dreg:$0x0] =	wrdreg $0x0  }
0xae: {  	s5 =	sshll.u32 s28, $0x1;
	[dreg:$0x2] =	wrdreg s3  }
0xaf: {  	[dreg:$0x3] =	wrdreg s5  }
0xb0: {  	[dreg:$0x4] =	wrdreg $0xC0  }
0xb1: {  	_ =	task [dreg:s7], $0x5FFFF  }
0xb2: {  	[dreg:$0x1] =	wrdreg $0xFFFFFFFF  }
0xb3: {  	[dreg:$0x0] =	wrdreg $0x60  }
0xb4: {  	[dreg:$0x2] =	wrdreg s24  }
0xb5: {  	[dreg:$0x3] =	wrdreg s16  }
0xb6: {  	[dreg:$0x4] =	wrdreg $0x9  }
0xb7: {  	_ =	task.clear_ibuf [dreg:s7], $0x5FFFF;
	_ =	strace $0x90000046  }
0xb8: {  	s29 =	simm.s32 $0x9;
	_ =	strace $0x80000048  }
0xb9: {  	_ =	swait.ge [sflag:s29], $0x1  }
0xba: {  	[sflag:s29] =	ssyncadd.s32 $0xFFFFFFFF  }
0xbb: {  	_ =	strace $0x90000048  }
0xbc: {  	_ =	sfence  }
0xbd: {  	s30 =	sld [smem:$0x0];
	_ =	sdelay $0x2  }
0xbe: {  	s31 =	sshll.u32 s1, $0xD;
	s1 =	sshrl.u32 s1, $0x2  }
0xbf: {  	s3 =	sand.u32 $0x4000, s31;
	s1 =	sadd.s32 s1, s30  }
0xc0: {  	s0 =	sor.u32 s3, s0;
	s1 =	sshll.u32 s1, $0x11  }
0xc1: {  	s0 =	sor.u32 s1, s0  }
0xc2: {  	s0 =	sadd.s32 $0x8F2B, s0  }
0xc3: {  	[sflag:s0] =	ssyncadd.remote.s32 $0x1  }
0xc4: {  	_ =	sfence.sel $0xFFFF  }
0xc5: {  	[dreg:$0x0] =	wrdreg $0xFFFFFFFF;
	(pc) =	sbr.abs _section_cstart, $3  }
0xc6: {  	[dreg:$0x1] =	wrdreg $0xFFFFFFFF  }
0xc7: {  	_ =	task.clear_ibuf [dreg:s7], $0x2FFFF;
	_ =	strace $0x9FFFFFFF  }
0xc8: {  	(tm) =	ssettm $0x7FFFFFFF  }
0xc9: {  	_ =	shalt  }
tec
execute0_lowered:
.L_overlay_start_1:
0x0: {  	(tag) =	ssettag $0x1  }
0x1: {  	s1 =	srdreg.scid;
	s6 =	rddreg [dreg:$0x0]  }
0x2: {  	s0 =	stileid.u32;
	s3 =	rddreg [dreg:$0x1]  }
0x3: {  	s2 =	simm.s32 $0x0;
	s13 =	simm.s32 $0x3;
	s14 =	simm.s32 $0x100  }
0x4: {  	s15 =	simm.s32 $0x900;
	s28 =	simm.s32 $0x6900;
	s1 =	sand.u32 $0x1, s1  }
0x5: {  	s29 =	simm.s32 $0x7100;
	s4 =	sshll.u32 s0, $0x9;
	s5 =	sshll.u32 s1, $0x8  }
0x6: {  	s30 =	simm.s32 $0x7900;
	s31 =	simm.s32 $0x1;
	s4 =	sor.u32 s5, s4  }
0x7: {  	[smem:$0x7FF] =	sst s2;
	s5 =	sshll.u32 s4, $0x7;
	s4 =	sshrl.u32 s4, $0x3  }
0x8: {  	_ =	strace $0x80000047;
	s11 =	sadd.s32 s5, s6;
	s3 =	sadd.s32 s3, s4  }
0x9: {  	s1 =	ssub.s32 $0x2, s1;
	[dreg:$0x3] =	wrdreg s3;
	s16 =	sadd.s32 $0x1000, s11  }
0xa: {  	s23 =	sshrl.u32 s1, $0x1;
	s17 =	sadd.s32 $0x1800, s11;
	[dreg:$0x4] =	wrdreg s16  }
0xb: {  	s1 =	ssub.s32 s1, s23;
	s18 =	sadd.s32 $0x2000, s11;
	[dreg:$0x5] =	wrdreg s17  }
0xc: {  	s23 =	simm.s32 $0x4900;
	s19 =	sadd.s32 $0x2800, s11;
	[dreg:$0x6] =	wrdreg s18  }
0xd: {  	s4 =	sadd.s32 $0x311100, s6;
	s20 =	sadd.s32 $0x3000, s11;
	[dreg:$0x7] =	wrdreg s19  }
0xe: {  	s5 =	sadd.s32 $0x311200, s6;
	s21 =	sadd.s32 $0x3800, s11;
	[dreg:$0x8] =	wrdreg s20  }
0xf: {  	s12 =	smax.u32 s1, $0x1;
	s22 =	sadd.s32 $0x4000, s11;
	[dreg:$0x9] =	wrdreg s21  }
0x10: {  	s1 =	simm.s32 $0x2;
	s24 =	sadd.s32 $0x4800, s11;
	[dreg:$0xa] =	wrdreg s22  }
0x11: {  	s3 =	sadd.s32 $0x311000, s6;
	s25 =	sadd.s32 $0x5000, s11;
	[dreg:$0xb] =	wrdreg s24  }
0x12: {  	s7 =	sadd.s32 $0x5800, s11;
	s26 =	sadd.s32 $0x6000, s11;
	[dreg:$0xc] =	wrdreg s25  }
0x13: {  	s6 =	sadd.s32 $0x311300, s6;
	s8 =	sadd.s32 $0x7000, s11;
	[dreg:$0xd] =	wrdreg s7  }
0x14: {  	s9 =	sadd.s32 $0x7800, s11;
	s10 =	sadd.s32 $0x8000, s11;
	[dreg:$0xe] =	wrdreg s26  }
0x15: {  	s7 =	sadd.s32 $0x6800, s11;
	s11 =	sadd.s32 $0x8800, s11;
	s16 =	simm.s32 $0x1100  }
0x16: {  	v2 =	vlaneseq.u32;
	s17 =	simm.s32 $0x1900;
	s18 =	simm.s32 $0x2100;
	s19 =	simm.s32 $0x2900  }
0x17: {  	vm0 =	vmmov $0xffff;
	v1 =	vshrl.u32 v2, $0x3;
	s20 =	simm.s32 $0x3100;
	s21 =	simm.s32 $0x3900;
	s22 =	simm.s32 $0x4100  }
0x18: {  	v0 =	vand.u32 $0x7, v2;
	v2 =	vor.u32 $0x8, v2;
	v1 =	vmul.u32 $0x8, v1;
	s24 =	simm.s32 $0x5100;
	s25 =	simm.s32 $0x5900;
	s26 =	simm.s32 $0x6100  }
.LBB2_1:
0x19: {  	s0 =	rddreg [dreg:$0x3]  }
0x1a: {  	[tilespmem:s2], [sflag:$0x3] =	stream.linear.gather [hbm4b:s0+s2], $0x100, $0x38;
	[tilespmem:$0x8100] =	vst v63  }
0x1b: {  	_ =	swait.ge [sflag:s13], $0x100  }
0x1c: {  	[sflag:s13] =	ssyncset.done $0x0  }
0x1d: {  	[sflag:s13] =	ssyncadd.s32 $0xFFFFFF00  }
0x1e: {  	v3 =	vld [tilespmem:$0x0];
	_ =	sdelay $0x4  }
0x1f: {  	v4 =	vshll.u32 v3, $0x3  }
0x20: {  	v3 =	vand.u32 $0x7, v3;
	v4 =	vand.u32 $0xFFFFFFC0, v4  }
0x21: {  	v3 =	vor.u32 v3, v4  }
0x22: {  	v4 =	vperm.xlane v3, v0;
	_ =	sdelay $0x1  }
0x23: {  	v4 =	vadd.s32 v1, v4;
	_ =	sdelay $0x4  }
0x24: {  	[tilespmem:s14], [sflag:$0x1] =	stream.indirect_vreg.gather [hbm4b:s3+s2], $0x80, v4, vm0, $0xb8;
	[tilespmem:$0x8100] =	vst v63  }
0x25: {  	v3 =	vperm.xlane v3, v2  }
0x26: {  	[tilespmem:s15], [sflag:$0x1] =	stream.indirect_vreg.gather [hbm4b:s4+s2], $0x80, v4, vm0, $0xb8;
	[tilespmem:$0x8100] =	vst v63  }
0x27: {  	v3 =	vadd.s32 v1, v3  }
0x28: {  	[tilespmem:s16], [sflag:$0x1] =	stream.indirect_vreg.gather [hbm4b:s5+s2], $0x80, v4, vm0, $0xb8;
	[tilespmem:$0x8100] =	vst v63  }
0x29: {  	_ = 	snop  }
0x2a: {  	[tilespmem:s17], [sflag:$0x1] =	stream.indirect_vreg.gather [hbm4b:s6+s2], $0x80, v4, vm0, $0xb8;
	[tilespmem:$0x8100] =	vst v63  }
0x2b: {  	_ = 	snop  }
0x2c: {  	[tilespmem:s18], [sflag:$0x1] =	stream.indirect_vreg.gather [hbm4b:s3+s2], $0x80, v3, vm0, $0xb8;
	[tilespmem:$0x8100] =	vst v63  }
0x2d: {  	_ = 	snop  }
0x2e: {  	[tilespmem:s19], [sflag:$0x1] =	stream.indirect_vreg.gather [hbm4b:s4+s2], $0x80, v3, vm0, $0xb8;
	[tilespmem:$0x8100] =	vst v63  }
0x2f: {  	_ = 	snop  }
0x30: {  	[tilespmem:s20], [sflag:$0x1] =	stream.indirect_vreg.gather [hbm4b:s5+s2], $0x80, v3, vm0, $0xb8;
	[tilespmem:$0x8100] =	vst v63  }
0x31: {  	_ = 	snop  }
0x32: {  	[tilespmem:s21], [sflag:$0x1] =	stream.indirect_vreg.gather [hbm4b:s6+s2], $0x80, v3, vm0, $0xb8;
	[tilespmem:$0x8100] =	vst v63  }
0x33: {  	v3 =	vld [tilespmem:$0x10];
	_ =	sdelay $0x4  }
0x34: {  	v49 =	vshll.u32 v3, $0x3  }
0x35: {  	v3 =	vand.u32 $0x7, v3;
	v4 =	vand.u32 $0xFFFFFFC0, v49  }
0x36: {  	v3 =	vor.u32 v3, v4  }
0x37: {  	v4 =	vperm.xlane v3, v0;
	_ =	sdelay $0x1  }
0x38: {  	v4 =	vadd.s32 v1, v4;
	_ =	sdelay $0x4  }
0x39: {  	[tilespmem:s22], [sflag:$0x2] =	stream.indirect_vreg.gather [hbm4b:s3+s2], $0x80, v4, vm0, $0xb8;
	[tilespmem:$0x8100] =	vst v63  }
0x3a: {  	v3 =	vperm.xlane v3, v2  }
0x3b: {  	[tilespmem:s23], [sflag:$0x2] =	stream.indirect_vreg.gather [hbm4b:s4+s2], $0x80, v4, vm0, $0xb8;
	[tilespmem:$0x8100] =	vst v63  }
0x3c: {  	v3 =	vadd.s32 v1, v3  }
0x3d: {  	[tilespmem:s24], [sflag:$0x2] =	stream.indirect_vreg.gather [hbm4b:s5+s2], $0x80, v4, vm0, $0xb8;
	[tilespmem:$0x8100] =	vst v63  }
0x3e: {  	_ = 	snop  }
0x3f: {  	[tilespmem:s25], [sflag:$0x2] =	stream.indirect_vreg.gather [hbm4b:s6+s2], $0x80, v4, vm0, $0xb8;
	[tilespmem:$0x8100] =	vst v63  }
0x40: {  	_ = 	snop  }
0x41: {  	[tilespmem:s26], [sflag:$0x2] =	stream.indirect_vreg.gather [hbm4b:s3+s2], $0x80, v3, vm0, $0xb8;
	[tilespmem:$0x8100] =	vst v63  }
0x42: {  	_ = 	snop  }
0x43: {  	[tilespmem:s28], [sflag:$0x2] =	stream.indirect_vreg.gather [hbm4b:s4+s2], $0x80, v3, vm0, $0xb8;
	[tilespmem:$0x8100] =	vst v63  }
0x44: {  	_ = 	snop  }
0x45: {  	[tilespmem:s29], [sflag:$0x2] =	stream.indirect_vreg.gather [hbm4b:s5+s2], $0x80, v3, vm0, $0xb8;
	[tilespmem:$0x8100] =	vst v63  }
0x46: {  	_ = 	snop  }
0x47: {  	[tilespmem:s30], [sflag:$0x2] =	stream.indirect_vreg.gather [hbm4b:s6+s2], $0x80, v3, vm0, $0xb8;
	[tilespmem:$0x8100] =	vst v63  }
0x48: {  	_ =	swait.ge [sflag:s31], $0x4000  }
0x49: {  	[sflag:s31] =	ssyncset.done $0x0  }
0x4a: {  	s0 =	rddreg [dreg:$0x4];
	[sflag:s31] =	ssyncadd.s32 $0xFFFFC000  }
0x4b: {  	[hbm4b:s0+s2] =	stream.linear.scatter [tilespmem:s14], [sflag:$0x3], $0x4000, $0x38;
	[tilespmem:$0x8100] =	vst v63  }
0x4c: {  	_ =	swait.ge [sflag:s13], $0x4000  }
0x4d: {  	[sflag:s13] =	ssyncset.done $0x0  }
0x4e: {  	[sflag:s13] =	ssyncadd.s32 $0xFFFFC000  }
0x4f: {  	v3 =	vld [tilespmem:$0x20];
	_ =	sdelay $0x4  }
0x50: {  	v50 =	vshll.u32 v3, $0x3  }
0x51: {  	v3 =	vand.u32 $0x7, v3;
	v4 =	vand.u32 $0xFFFFFFC0, v50  }
0x52: {  	v3 =	vor.u32 v3, v4  }
0x53: {  	v4 =	vperm.xlane v3, v0;
	_ =	sdelay $0x1  }
0x54: {  	v4 =	vadd.s32 v1, v4;
	_ =	sdelay $0x4  }
0x55: {  	[tilespmem:s14], [sflag:$0x1] =	stream.indirect_vreg.gather [hbm4b:s3+s2], $0x80, v4, vm0, $0xb8;
	[tilespmem:$0x8100] =	vst v63  }
0x56: {  	v3 =	vperm.xlane v3, v2  }
0x57: {  	[tilespmem:s15], [sflag:$0x1] =	stream.indirect_vreg.gather [hbm4b:s4+s2], $0x80, v4, vm0, $0xb8;
	[tilespmem:$0x8100] =	vst v63  }
0x58: {  	v3 =	vadd.s32 v1, v3  }
0x59: {  	[tilespmem:s16], [sflag:$0x1] =	stream.indirect_vreg.gather [hbm4b:s5+s2], $0x80, v4, vm0, $0xb8;
	[tilespmem:$0x8100] =	vst v63  }
0x5a: {  	_ = 	snop  }
0x5b: {  	[tilespmem:s17], [sflag:$0x1] =	stream.indirect_vreg.gather [hbm4b:s6+s2], $0x80, v4, vm0, $0xb8;
	[tilespmem:$0x8100] =	vst v63  }
0x5c: {  	_ = 	snop  }
0x5d: {  	[tilespmem:s18], [sflag:$0x1] =	stream.indirect_vreg.gather [hbm4b:s3+s2], $0x80, v3, vm0, $0xb8;
	[tilespmem:$0x8100] =	vst v63  }
0x5e: {  	_ = 	snop  }
0x5f: {  	[tilespmem:s19], [sflag:$0x1] =	stream.indirect_vreg.gather [hbm4b:s4+s2], $0x80, v3, vm0, $0xb8;
	[tilespmem:$0x8100] =	vst v63  }
0x60: {  	_ = 	snop  }
0x61: {  	[tilespmem:s20], [sflag:$0x1] =	stream.indirect_vreg.gather [hbm4b:s5+s2], $0x80, v3, vm0, $0xb8;
	[tilespmem:$0x8100] =	vst v63  }
0x62: {  	_ = 	snop  }
0x63: {  	[tilespmem:s21], [sflag:$0x1] =	stream.indirect_vreg.gather [hbm4b:s6+s2], $0x80, v3, vm0, $0xb8;
	[tilespmem:$0x8100] =	vst v63  }
0x64: {  	_ =	swait.ge [sflag:s1], $0x4000  }
0x65: {  	[sflag:s1] =	ssyncset.done $0x0  }
0x66: {  	s0 =	rddreg [dreg:$0x5];
	[sflag:s1] =	ssyncadd.s32 $0xFFFFC000  }
0x67: {  	[hbm4b:s0+s2] =	stream.linear.scatter [tilespmem:s22], [sflag:$0x3], $0x4000, $0x38;
	[tilespmem:$0x8100] =	vst v63  }
0x68: {  	_ =	swait.ge [sflag:s13], $0x4000  }
0x69: {  	[sflag:s13] =	ssyncset.done $0x0  }
0x6a: {  	[sflag:s13] =	ssyncadd.s32 $0xFFFFC000  }
0x6b: {  	v3 =	vld [tilespmem:$0x30];
	_ =	sdelay $0x4  }
0x6c: {  	v51 =	vshll.u32 v3, $0x3  }
0x6d: {  	v3 =	vand.u32 $0x7, v3;
	v4 =	vand.u32 $0xFFFFFFC0, v51  }
0x6e: {  	v3 =	vor.u32 v3, v4  }
0x6f: {  	v4 =	vperm.xlane v3, v0;
	_ =	sdelay $0x1  }
0x70: {  	v4 =	vadd.s32 v1, v4;
	_ =	sdelay $0x4  }
0x71: {  	[tilespmem:s22], [sflag:$0x2] =	stream.indirect_vreg.gather [hbm4b:s3+s2], $0x80, v4, vm0, $0xb8;
	[tilespmem:$0x8100] =	vst v63  }
0x72: {  	v3 =	vperm.xlane v3, v2  }
0x73: {  	[tilespmem:s23], [sflag:$0x2] =	stream.indirect_vreg.gather [hbm4b:s4+s2], $0x80, v4, vm0, $0xb8;
	[tilespmem:$0x8100] =	vst v63  }
0x74: {  	v3 =	vadd.s32 v1, v3  }
0x75: {  	[tilespmem:s24], [sflag:$0x2] =	stream.indirect_vreg.gather [hbm4b:s5+s2], $0x80, v4, vm0, $0xb8;
	[tilespmem:$0x8100] =	vst v63  }
0x76: {  	_ = 	snop  }
0x77: {  	[tilespmem:s25], [sflag:$0x2] =	stream.indirect_vreg.gather [hbm4b:s6+s2], $0x80, v4, vm0, $0xb8;
	[tilespmem:$0x8100] =	vst v63  }
0x78: {  	_ = 	snop  }
0x79: {  	[tilespmem:s26], [sflag:$0x2] =	stream.indirect_vreg.gather [hbm4b:s3+s2], $0x80, v3, vm0, $0xb8;
	[tilespmem:$0x8100] =	vst v63  }
0x7a: {  	_ = 	snop  }
0x7b: {  	[tilespmem:s28], [sflag:$0x2] =	stream.indirect_vreg.gather [hbm4b:s4+s2], $0x80, v3, vm0, $0xb8;
	[tilespmem:$0x8100] =	vst v63  }
0x7c: {  	_ = 	snop  }
0x7d: {  	[tilespmem:s29], [sflag:$0x2] =	stream.indirect_vreg.gather [hbm4b:s5+s2], $0x80, v3, vm0, $0xb8;
	[tilespmem:$0x8100] =	vst v63  }
0x7e: {  	_ = 	snop  }
0x7f: {  	[tilespmem:s30], [sflag:$0x2] =	stream.indirect_vreg.gather [hbm4b:s6+s2], $0x80, v3, vm0, $0xb8;
	[tilespmem:$0x8100] =	vst v63  }
0x80: {  	_ =	swait.ge [sflag:s31], $0x4000  }
0x81: {  	[sflag:s31] =	ssyncset.done $0x0  }
0x82: {  	s0 =	rddreg [dreg:$0x6];
	[sflag:s31] =	ssyncadd.s32 $0xFFFFC000  }
0x83: {  	[hbm4b:s0+s2] =	stream.linear.scatter [tilespmem:s14], [sflag:$0x3], $0x4000, $0x38;
	[tilespmem:$0x8100] =	vst v63  }
0x84: {  	_ =	swait.ge [sflag:s13], $0x4000  }
0x85: {  	[sflag:s13] =	ssyncset.done $0x0  }
0x86: {  	[sflag:s13] =	ssyncadd.s32 $0xFFFFC000  }
0x87: {  	v3 =	vld [tilespmem:$0x40];
	_ =	sdelay $0x4  }
0x88: {  	v52 =	vshll.u32 v3, $0x3  }
0x89: {  	v3 =	vand.u32 $0x7, v3;
	v4 =	vand.u32 $0xFFFFFFC0, v52  }
0x8a: {  	v3 =	vor.u32 v3, v4  }
0x8b: {  	v4 =	vperm.xlane v3, v0;
	_ =	sdelay $0x1  }
0x8c: {  	v4 =	vadd.s32 v1, v4;
	_ =	sdelay $0x4  }
0x8d: {  	[tilespmem:s14], [sflag:$0x1] =	stream.indirect_vreg.gather [hbm4b:s3+s2], $0x80, v4, vm0, $0xb8;
	[tilespmem:$0x8100] =	vst v63  }
0x8e: {  	v3 =	vperm.xlane v3, v2  }
0x8f: {  	[tilespmem:s15], [sflag:$0x1] =	stream.indirect_vreg.gather [hbm4b:s4+s2], $0x80, v4, vm0, $0xb8;
	[tilespmem:$0x8100] =	vst v63  }
0x90: {  	v3 =	vadd.s32 v1, v3  }
0x91: {  	[tilespmem:s16], [sflag:$0x1] =	stream.indirect_vreg.gather [hbm4b:s5+s2], $0x80, v4, vm0, $0xb8;
	[tilespmem:$0x8100] =	vst v63  }
0x92: {  	_ = 	snop  }
0x93: {  	[tilespmem:s17], [sflag:$0x1] =	stream.indirect_vreg.gather [hbm4b:s6+s2], $0x80, v4, vm0, $0xb8;
	[tilespmem:$0x8100] =	vst v63  }
0x94: {  	_ = 	snop  }
0x95: {  	[tilespmem:s18], [sflag:$0x1] =	stream.indirect_vreg.gather [hbm4b:s3+s2], $0x80, v3, vm0, $0xb8;
	[tilespmem:$0x8100] =	vst v63  }
0x96: {  	_ = 	snop  }
0x97: {  	[tilespmem:s19], [sflag:$0x1] =	stream.indirect_vreg.gather [hbm4b:s4+s2], $0x80, v3, vm0, $0xb8;
	[tilespmem:$0x8100] =	vst v63  }
0x98: {  	_ = 	snop  }
0x99: {  	[tilespmem:s20], [sflag:$0x1] =	stream.indirect_vreg.gather [hbm4b:s5+s2], $0x80, v3, vm0, $0xb8;
	[tilespmem:$0x8100] =	vst v63  }
0x9a: {  	_ = 	snop  }
0x9b: {  	[tilespmem:s21], [sflag:$0x1] =	stream.indirect_vreg.gather [hbm4b:s6+s2], $0x80, v3, vm0, $0xb8;
	[tilespmem:$0x8100] =	vst v63  }
0x9c: {  	_ =	swait.ge [sflag:s1], $0x4000  }
0x9d: {  	[sflag:s1] =	ssyncset.done $0x0  }
0x9e: {  	s0 =	rddreg [dreg:$0x7];
	[sflag:s1] =	ssyncadd.s32 $0xFFFFC000  }
0x9f: {  	[hbm4b:s0+s2] =	stream.linear.scatter [tilespmem:s22], [sflag:$0x3], $0x4000, $0x38;
	[tilespmem:$0x8100] =	vst v63  }
0xa0: {  	_ =	swait.ge [sflag:s13], $0x4000  }
0xa1: {  	[sflag:s13] =	ssyncset.done $0x0  }
0xa2: {  	[sflag:s13] =	ssyncadd.s32 $0xFFFFC000  }
0xa3: {  	v3 =	vld [tilespmem:$0x50];
	_ =	sdelay $0x4  }
0xa4: {  	v53 =	vshll.u32 v3, $0x3  }
0xa5: {  	v3 =	vand.u32 $0x7, v3;
	v4 =	vand.u32 $0xFFFFFFC0, v53  }
0xa6: {  	v3 =	vor.u32 v3, v4  }
0xa7: {  	v4 =	vperm.xlane v3, v0;
	_ =	sdelay $0x1  }
0xa8: {  	v4 =	vadd.s32 v1, v4;
	_ =	sdelay $0x4  }
0xa9: {  	[tilespmem:s22], [sflag:$0x2] =	stream.indirect_vreg.gather [hbm4b:s3+s2], $0x80, v4, vm0, $0xb8;
	[tilespmem:$0x8100] =	vst v63  }
0xaa: {  	v3 =	vperm.xlane v3, v2  }
0xab: {  	[tilespmem:s23], [sflag:$0x2] =	stream.indirect_vreg.gather [hbm4b:s4+s2], $0x80, v4, vm0, $0xb8;
	[tilespmem:$0x8100] =	vst v63  }
0xac: {  	v3 =	vadd.s32 v1, v3  }
0xad: {  	[tilespmem:s24], [sflag:$0x2] =	stream.indirect_vreg.gather [hbm4b:s5+s2], $0x80, v4, vm0, $0xb8;
	[tilespmem:$0x8100] =	vst v63  }
0xae: {  	_ = 	snop  }
0xaf: {  	[tilespmem:s25], [sflag:$0x2] =	stream.indirect_vreg.gather [hbm4b:s6+s2], $0x80, v4, vm0, $0xb8;
	[tilespmem:$0x8100] =	vst v63  }
0xb0: {  	_ = 	snop  }
0xb1: {  	[tilespmem:s26], [sflag:$0x2] =	stream.indirect_vreg.gather [hbm4b:s3+s2], $0x80, v3, vm0, $0xb8;
	[tilespmem:$0x8100] =	vst v63  }
0xb2: {  	_ = 	snop  }
0xb3: {  	[tilespmem:s28], [sflag:$0x2] =	stream.indirect_vreg.gather [hbm4b:s4+s2], $0x80, v3, vm0, $0xb8;
	[tilespmem:$0x8100] =	vst v63  }
0xb4: {  	_ = 	snop  }
0xb5: {  	[tilespmem:s29], [sflag:$0x2] =	stream.indirect_vreg.gather [hbm4b:s5+s2], $0x80, v3, vm0, $0xb8;
	[tilespmem:$0x8100] =	vst v63  }
0xb6: {  	_ = 	snop  }
0xb7: {  	[tilespmem:s30], [sflag:$0x2] =	stream.indirect_vreg.gather [hbm4b:s6+s2], $0x80, v3, vm0, $0xb8;
	[tilespmem:$0x8100] =	vst v63  }
0xb8: {  	_ =	swait.ge [sflag:s31], $0x4000  }
0xb9: {  	[sflag:s31] =	ssyncset.done $0x0  }
0xba: {  	s0 =	rddreg [dreg:$0x8];
	[sflag:s31] =	ssyncadd.s32 $0xFFFFC000  }
0xbb: {  	[hbm4b:s0+s2] =	stream.linear.scatter [tilespmem:s14], [sflag:$0x3], $0x4000, $0x38;
	[tilespmem:$0x8100] =	vst v63  }
0xbc: {  	_ =	swait.ge [sflag:s13], $0x4000  }
0xbd: {  	[sflag:s13] =	ssyncset.done $0x0  }
0xbe: {  	[sflag:s13] =	ssyncadd.s32 $0xFFFFC000  }
0xbf: {  	v3 =	vld [tilespmem:$0x60];
	_ =	sdelay $0x4  }
0xc0: {  	v54 =	vshll.u32 v3, $0x3  }
0xc1: {  	v3 =	vand.u32 $0x7, v3;
	v4 =	vand.u32 $0xFFFFFFC0, v54  }
0xc2: {  	v3 =	vor.u32 v3, v4  }
0xc3: {  	v4 =	vperm.xlane v3, v0;
	_ =	sdelay $0x1  }
0xc4: {  	v4 =	vadd.s32 v1, v4;
	_ =	sdelay $0x4  }
0xc5: {  	[tilespmem:s14], [sflag:$0x1] =	stream.indirect_vreg.gather [hbm4b:s3+s2], $0x80, v4, vm0, $0xb8;
	[tilespmem:$0x8100] =	vst v63  }
0xc6: {  	v3 =	vperm.xlane v3, v2  }
0xc7: {  	[tilespmem:s15], [sflag:$0x1] =	stream.indirect_vreg.gather [hbm4b:s4+s2], $0x80, v4, vm0, $0xb8;
	[tilespmem:$0x8100] =	vst v63  }
0xc8: {  	v3 =	vadd.s32 v1, v3  }
0xc9: {  	[tilespmem:s16], [sflag:$0x1] =	stream.indirect_vreg.gather [hbm4b:s5+s2], $0x80, v4, vm0, $0xb8;
	[tilespmem:$0x8100] =	vst v63  }
0xca: {  	_ = 	snop  }
0xcb: {  	[tilespmem:s17], [sflag:$0x1] =	stream.indirect_vreg.gather [hbm4b:s6+s2], $0x80, v4, vm0, $0xb8;
	[tilespmem:$0x8100] =	vst v63  }
0xcc: {  	_ = 	snop  }
0xcd: {  	[tilespmem:s18], [sflag:$0x1] =	stream.indirect_vreg.gather [hbm4b:s3+s2], $0x80, v3, vm0, $0xb8;
	[tilespmem:$0x8100] =	vst v63  }
0xce: {  	_ = 	snop  }
0xcf: {  	[tilespmem:s19], [sflag:$0x1] =	stream.indirect_vreg.gather [hbm4b:s4+s2], $0x80, v3, vm0, $0xb8;
	[tilespmem:$0x8100] =	vst v63  }
0xd0: {  	_ = 	snop  }
0xd1: {  	[tilespmem:s20], [sflag:$0x1] =	stream.indirect_vreg.gather [hbm4b:s5+s2], $0x80, v3, vm0, $0xb8;
	[tilespmem:$0x8100] =	vst v63  }
0xd2: {  	_ = 	snop  }
0xd3: {  	[tilespmem:s21], [sflag:$0x1] =	stream.indirect_vreg.gather [hbm4b:s6+s2], $0x80, v3, vm0, $0xb8;
	[tilespmem:$0x8100] =	vst v63  }
0xd4: {  	_ =	swait.ge [sflag:s1], $0x4000  }
0xd5: {  	[sflag:s1] =	ssyncset.done $0x0  }
0xd6: {  	s0 =	rddreg [dreg:$0x9];
	[sflag:s1] =	ssyncadd.s32 $0xFFFFC000  }
0xd7: {  	[hbm4b:s0+s2] =	stream.linear.scatter [tilespmem:s22], [sflag:$0x3], $0x4000, $0x38;
	[tilespmem:$0x8100] =	vst v63  }
0xd8: {  	_ =	swait.ge [sflag:s13], $0x4000  }
0xd9: {  	[sflag:s13] =	ssyncset.done $0x0  }
0xda: {  	[sflag:s13] =	ssyncadd.s32 $0xFFFFC000  }
0xdb: {  	v3 =	vld [tilespmem:$0x70];
	_ =	sdelay $0x4  }
0xdc: {  	v55 =	vshll.u32 v3, $0x3  }
0xdd: {  	v3 =	vand.u32 $0x7, v3;
	v4 =	vand.u32 $0xFFFFFFC0, v55  }
0xde: {  	v3 =	vor.u32 v3, v4  }
0xdf: {  	v4 =	vperm.xlane v3, v0;
	_ =	sdelay $0x1  }
0xe0: {  	v4 =	vadd.s32 v1, v4;
	_ =	sdelay $0x4  }
0xe1: {  	[tilespmem:s22], [sflag:$0x2] =	stream.indirect_vreg.gather [hbm4b:s3+s2], $0x80, v4, vm0, $0xb8;
	[tilespmem:$0x8100] =	vst v63  }
0xe2: {  	v3 =	vperm.xlane v3, v2  }
0xe3: {  	[tilespmem:s23], [sflag:$0x2] =	stream.indirect_vreg.gather [hbm4b:s4+s2], $0x80, v4, vm0, $0xb8;
	[tilespmem:$0x8100] =	vst v63  }
0xe4: {  	v3 =	vadd.s32 v1, v3  }
0xe5: {  	[tilespmem:s24], [sflag:$0x2] =	stream.indirect_vreg.gather [hbm4b:s5+s2], $0x80, v4, vm0, $0xb8;
	[tilespmem:$0x8100] =	vst v63  }
0xe6: {  	_ = 	snop  }
0xe7: {  	[tilespmem:s25], [sflag:$0x2] =	stream.indirect_vreg.gather [hbm4b:s6+s2], $0x80, v4, vm0, $0xb8;
	[tilespmem:$0x8100] =	vst v63  }
0xe8: {  	_ = 	snop  }
0xe9: {  	[tilespmem:s26], [sflag:$0x2] =	stream.indirect_vreg.gather [hbm4b:s3+s2], $0x80, v3, vm0, $0xb8;
	[tilespmem:$0x8100] =	vst v63  }
0xea: {  	_ = 	snop  }
0xeb: {  	[tilespmem:s28], [sflag:$0x2] =	stream.indirect_vreg.gather [hbm4b:s4+s2], $0x80, v3, vm0, $0xb8;
	[tilespmem:$0x8100] =	vst v63  }
0xec: {  	_ = 	snop  }
0xed: {  	[tilespmem:s29], [sflag:$0x2] =	stream.indirect_vreg.gather [hbm4b:s5+s2], $0x80, v3, vm0, $0xb8;
	[tilespmem:$0x8100] =	vst v63  }
0xee: {  	_ = 	snop  }
0xef: {  	[tilespmem:s30], [sflag:$0x2] =	stream.indirect_vreg.gather [hbm4b:s6+s2], $0x80, v3, vm0, $0xb8;
	[tilespmem:$0x8100] =	vst v63  }
0xf0: {  	_ =	swait.ge [sflag:s31], $0x4000  }
0xf1: {  	[sflag:s31] =	ssyncset.done $0x0  }
0xf2: {  	s0 =	rddreg [dreg:$0xa];
	[sflag:s31] =	ssyncadd.s32 $0xFFFFC000  }
0xf3: {  	[hbm4b:s0+s2] =	stream.linear.scatter [tilespmem:s14], [sflag:$0x3], $0x4000, $0x38;
	[tilespmem:$0x8100] =	vst v63  }
0xf4: {  	_ =	swait.ge [sflag:s13], $0x4000  }
0xf5: {  	[sflag:s13] =	ssyncset.done $0x0  }
0xf6: {  	[sflag:s13] =	ssyncadd.s32 $0xFFFFC000  }
0xf7: {  	v3 =	vld [tilespmem:$0x80];
	_ =	sdelay $0x4  }
0xf8: {  	v56 =	vshll.u32 v3, $0x3  }
0xf9: {  	v3 =	vand.u32 $0x7, v3;
	v4 =	vand.u32 $0xFFFFFFC0, v56  }
0xfa: {  	v3 =	vor.u32 v3, v4  }
0xfb: {  	v4 =	vperm.xlane v3, v0;
	_ =	sdelay $0x1  }
0xfc: {  	v4 =	vadd.s32 v1, v4;
	_ =	sdelay $0x4  }
0xfd: {  	[tilespmem:s14], [sflag:$0x1] =	stream.indirect_vreg.gather [hbm4b:s3+s2], $0x80, v4, vm0, $0xb8;
	[tilespmem:$0x8100] =	vst v63  }
0xfe: {  	v3 =	vperm.xlane v3, v2  }
0xff: {  	[tilespmem:s15], [sflag:$0x1] =	stream.indirect_vreg.gather [hbm4b:s4+s2], $0x80, v4, vm0, $0xb8;
	[tilespmem:$0x8100] =	vst v63  }
0x100: {  	v3 =	vadd.s32 v1, v3  }
0x101: {  	[tilespmem:s16], [sflag:$0x1] =	stream.indirect_vreg.gather [hbm4b:s5+s2], $0x80, v4, vm0, $0xb8;
	[tilespmem:$0x8100] =	vst v63  }
0x102: {  	_ = 	snop  }
0x103: {  	[tilespmem:s17], [sflag:$0x1] =	stream.indirect_vreg.gather [hbm4b:s6+s2], $0x80, v4, vm0, $0xb8;
	[tilespmem:$0x8100] =	vst v63  }
0x104: {  	_ = 	snop  }
0x105: {  	[tilespmem:s18], [sflag:$0x1] =	stream.indirect_vreg.gather [hbm4b:s3+s2], $0x80, v3, vm0, $0xb8;
	[tilespmem:$0x8100] =	vst v63  }
0x106: {  	_ = 	snop  }
0x107: {  	[tilespmem:s19], [sflag:$0x1] =	stream.indirect_vreg.gather [hbm4b:s4+s2], $0x80, v3, vm0, $0xb8;
	[tilespmem:$0x8100] =	vst v63  }
0x108: {  	_ = 	snop  }
0x109: {  	[tilespmem:s20], [sflag:$0x1] =	stream.indirect_vreg.gather [hbm4b:s5+s2], $0x80, v3, vm0, $0xb8;
	[tilespmem:$0x8100] =	vst v63  }
0x10a: {  	_ = 	snop  }
0x10b: {  	[tilespmem:s21], [sflag:$0x1] =	stream.indirect_vreg.gather [hbm4b:s6+s2], $0x80, v3, vm0, $0xb8;
	[tilespmem:$0x8100] =	vst v63  }
0x10c: {  	_ =	swait.ge [sflag:s1], $0x4000  }
0x10d: {  	[sflag:s1] =	ssyncset.done $0x0  }
0x10e: {  	s0 =	rddreg [dreg:$0xb];
	[sflag:s1] =	ssyncadd.s32 $0xFFFFC000  }
0x10f: {  	[hbm4b:s0+s2] =	stream.linear.scatter [tilespmem:s22], [sflag:$0x3], $0x4000, $0x38;
	[tilespmem:$0x8100] =	vst v63  }
0x110: {  	_ =	swait.ge [sflag:s13], $0x4000  }
0x111: {  	[sflag:s13] =	ssyncset.done $0x0  }
0x112: {  	[sflag:s13] =	ssyncadd.s32 $0xFFFFC000  }
0x113: {  	v3 =	vld [tilespmem:$0x90];
	_ =	sdelay $0x4  }
0x114: {  	v57 =	vshll.u32 v3, $0x3  }
0x115: {  	v3 =	vand.u32 $0x7, v3;
	v4 =	vand.u32 $0xFFFFFFC0, v57  }
0x116: {  	v3 =	vor.u32 v3, v4  }
0x117: {  	v4 =	vperm.xlane v3, v0;
	_ =	sdelay $0x1  }
0x118: {  	v4 =	vadd.s32 v1, v4;
	_ =	sdelay $0x4  }
0x119: {  	[tilespmem:s22], [sflag:$0x2] =	stream.indirect_vreg.gather [hbm4b:s3+s2], $0x80, v4, vm0, $0xb8;
	[tilespmem:$0x8100] =	vst v63  }
0x11a: {  	v3 =	vperm.xlane v3, v2  }
0x11b: {  	[tilespmem:s23], [sflag:$0x2] =	stream.indirect_vreg.gather [hbm4b:s4+s2], $0x80, v4, vm0, $0xb8;
	[tilespmem:$0x8100] =	vst v63  }
0x11c: {  	v3 =	vadd.s32 v1, v3  }
0x11d: {  	[tilespmem:s24], [sflag:$0x2] =	stream.indirect_vreg.gather [hbm4b:s5+s2], $0x80, v4, vm0, $0xb8;
	[tilespmem:$0x8100] =	vst v63  }
0x11e: {  	_ = 	snop  }
0x11f: {  	[tilespmem:s25], [sflag:$0x2] =	stream.indirect_vreg.gather [hbm4b:s6+s2], $0x80, v4, vm0, $0xb8;
	[tilespmem:$0x8100] =	vst v63  }
0x120: {  	_ = 	snop  }
0x121: {  	[tilespmem:s26], [sflag:$0x2] =	stream.indirect_vreg.gather [hbm4b:s3+s2], $0x80, v3, vm0, $0xb8;
	[tilespmem:$0x8100] =	vst v63  }
0x122: {  	_ = 	snop  }
0x123: {  	[tilespmem:s28], [sflag:$0x2] =	stream.indirect_vreg.gather [hbm4b:s4+s2], $0x80, v3, vm0, $0xb8;
	[tilespmem:$0x8100] =	vst v63  }
0x124: {  	_ = 	snop  }
0x125: {  	[tilespmem:s29], [sflag:$0x2] =	stream.indirect_vreg.gather [hbm4b:s5+s2], $0x80, v3, vm0, $0xb8;
	[tilespmem:$0x8100] =	vst v63  }
0x126: {  	_ = 	snop  }
0x127: {  	[tilespmem:s30], [sflag:$0x2] =	stream.indirect_vreg.gather [hbm4b:s6+s2], $0x80, v3, vm0, $0xb8;
	[tilespmem:$0x8100] =	vst v63  }
0x128: {  	_ =	swait.ge [sflag:s31], $0x4000  }
0x129: {  	[sflag:s31] =	ssyncset.done $0x0  }
0x12a: {  	s0 =	rddreg [dreg:$0xc];
	[sflag:s31] =	ssyncadd.s32 $0xFFFFC000  }
0x12b: {  	[hbm4b:s0+s2] =	stream.linear.scatter [tilespmem:s14], [sflag:$0x3], $0x4000, $0x38;
	[tilespmem:$0x8100] =	vst v63  }
0x12c: {  	_ =	swait.ge [sflag:s13], $0x4000  }
0x12d: {  	[sflag:s13] =	ssyncset.done $0x0  }
0x12e: {  	[sflag:s13] =	ssyncadd.s32 $0xFFFFC000  }
0x12f: {  	v3 =	vld [tilespmem:$0xA0];
	_ =	sdelay $0x4  }
0x130: {  	v58 =	vshll.u32 v3, $0x3  }
0x131: {  	v3 =	vand.u32 $0x7, v3;
	v4 =	vand.u32 $0xFFFFFFC0, v58  }
0x132: {  	v3 =	vor.u32 v3, v4  }
0x133: {  	v4 =	vperm.xlane v3, v0;
	_ =	sdelay $0x1  }
0x134: {  	v4 =	vadd.s32 v1, v4;
	_ =	sdelay $0x4  }
0x135: {  	[tilespmem:s14], [sflag:$0x1] =	stream.indirect_vreg.gather [hbm4b:s3+s2], $0x80, v4, vm0, $0xb8;
	[tilespmem:$0x8100] =	vst v63  }
0x136: {  	v3 =	vperm.xlane v3, v2  }
0x137: {  	[tilespmem:s15], [sflag:$0x1] =	stream.indirect_vreg.gather [hbm4b:s4+s2], $0x80, v4, vm0, $0xb8;
	[tilespmem:$0x8100] =	vst v63  }
0x138: {  	v3 =	vadd.s32 v1, v3  }
0x139: {  	[tilespmem:s16], [sflag:$0x1] =	stream.indirect_vreg.gather [hbm4b:s5+s2], $0x80, v4, vm0, $0xb8;
	[tilespmem:$0x8100] =	vst v63  }
0x13a: {  	_ = 	snop  }
0x13b: {  	[tilespmem:s17], [sflag:$0x1] =	stream.indirect_vreg.gather [hbm4b:s6+s2], $0x80, v4, vm0, $0xb8;
	[tilespmem:$0x8100] =	vst v63  }
0x13c: {  	_ = 	snop  }
0x13d: {  	[tilespmem:s18], [sflag:$0x1] =	stream.indirect_vreg.gather [hbm4b:s3+s2], $0x80, v3, vm0, $0xb8;
	[tilespmem:$0x8100] =	vst v63  }
0x13e: {  	_ = 	snop  }
0x13f: {  	[tilespmem:s19], [sflag:$0x1] =	stream.indirect_vreg.gather [hbm4b:s4+s2], $0x80, v3, vm0, $0xb8;
	[tilespmem:$0x8100] =	vst v63  }
0x140: {  	_ = 	snop  }
0x141: {  	[tilespmem:s20], [sflag:$0x1] =	stream.indirect_vreg.gather [hbm4b:s5+s2], $0x80, v3, vm0, $0xb8;
	[tilespmem:$0x8100] =	vst v63  }
0x142: {  	_ = 	snop  }
0x143: {  	[tilespmem:s21], [sflag:$0x1] =	stream.indirect_vreg.gather [hbm4b:s6+s2], $0x80, v3, vm0, $0xb8;
	[tilespmem:$0x8100] =	vst v63  }
0x144: {  	_ =	swait.ge [sflag:s1], $0x4000  }
0x145: {  	[sflag:s1] =	ssyncset.done $0x0  }
0x146: {  	s0 =	rddreg [dreg:$0xd];
	[sflag:s1] =	ssyncadd.s32 $0xFFFFC000  }
0x147: {  	[hbm4b:s0+s2] =	stream.linear.scatter [tilespmem:s22], [sflag:$0x3], $0x4000, $0x38;
	[tilespmem:$0x8100] =	vst v63  }
0x148: {  	_ =	swait.ge [sflag:s13], $0x4000  }
0x149: {  	[sflag:s13] =	ssyncset.done $0x0  }
0x14a: {  	[sflag:s13] =	ssyncadd.s32 $0xFFFFC000  }
0x14b: {  	v3 =	vld [tilespmem:$0xB0];
	_ =	sdelay $0x4  }
0x14c: {  	v59 =	vshll.u32 v3, $0x3  }
0x14d: {  	v3 =	vand.u32 $0x7, v3;
	v4 =	vand.u32 $0xFFFFFFC0, v59  }
0x14e: {  	v3 =	vor.u32 v3, v4  }
0x14f: {  	v4 =	vperm.xlane v3, v0;
	_ =	sdelay $0x1  }
0x150: {  	v4 =	vadd.s32 v1, v4;
	_ =	sdelay $0x4  }
0x151: {  	[tilespmem:s22], [sflag:$0x2] =	stream.indirect_vreg.gather [hbm4b:s3+s2], $0x80, v4, vm0, $0xb8;
	[tilespmem:$0x8100] =	vst v63  }
0x152: {  	v3 =	vperm.xlane v3, v2  }
0x153: {  	[tilespmem:s23], [sflag:$0x2] =	stream.indirect_vreg.gather [hbm4b:s4+s2], $0x80, v4, vm0, $0xb8;
	[tilespmem:$0x8100] =	vst v63  }
0x154: {  	v3 =	vadd.s32 v1, v3  }
0x155: {  	[tilespmem:s24], [sflag:$0x2] =	stream.indirect_vreg.gather [hbm4b:s5+s2], $0x80, v4, vm0, $0xb8;
	[tilespmem:$0x8100] =	vst v63  }
0x156: {  	_ = 	snop  }
0x157: {  	[tilespmem:s25], [sflag:$0x2] =	stream.indirect_vreg.gather [hbm4b:s6+s2], $0x80, v4, vm0, $0xb8;
	[tilespmem:$0x8100] =	vst v63  }
0x158: {  	_ = 	snop  }
0x159: {  	[tilespmem:s26], [sflag:$0x2] =	stream.indirect_vreg.gather [hbm4b:s3+s2], $0x80, v3, vm0, $0xb8;
	[tilespmem:$0x8100] =	vst v63  }
0x15a: {  	_ = 	snop  }
0x15b: {  	[tilespmem:s28], [sflag:$0x2] =	stream.indirect_vreg.gather [hbm4b:s4+s2], $0x80, v3, vm0, $0xb8;
	[tilespmem:$0x8100] =	vst v63  }
0x15c: {  	_ = 	snop  }
0x15d: {  	[tilespmem:s29], [sflag:$0x2] =	stream.indirect_vreg.gather [hbm4b:s5+s2], $0x80, v3, vm0, $0xb8;
	[tilespmem:$0x8100] =	vst v63  }
0x15e: {  	_ = 	snop  }
0x15f: {  	[tilespmem:s30], [sflag:$0x2] =	stream.indirect_vreg.gather [hbm4b:s6+s2], $0x80, v3, vm0, $0xb8;
	[tilespmem:$0x8100] =	vst v63  }
0x160: {  	_ =	swait.ge [sflag:s31], $0x4000  }
0x161: {  	[sflag:s31] =	ssyncset.done $0x0  }
0x162: {  	s0 =	rddreg [dreg:$0xe];
	[sflag:s31] =	ssyncadd.s32 $0xFFFFC000  }
0x163: {  	[hbm4b:s0+s2] =	stream.linear.scatter [tilespmem:s14], [sflag:$0x3], $0x4000, $0x38;
	[tilespmem:$0x8100] =	vst v63  }
0x164: {  	_ =	swait.ge [sflag:s13], $0x4000  }
0x165: {  	[sflag:s13] =	ssyncset.done $0x0  }
0x166: {  	[sflag:s13] =	ssyncadd.s32 $0xFFFFC000  }
0x167: {  	v3 =	vld [tilespmem:$0xC0];
	_ =	sdelay $0x4  }
0x168: {  	v60 =	vshll.u32 v3, $0x3  }
0x169: {  	v3 =	vand.u32 $0x7, v3;
	v4 =	vand.u32 $0xFFFFFFC0, v60  }
0x16a: {  	v3 =	vor.u32 v3, v4  }
0x16b: {  	v4 =	vperm.xlane v3, v0;
	_ =	sdelay $0x1  }
0x16c: {  	v4 =	vadd.s32 v1, v4;
	_ =	sdelay $0x4  }
0x16d: {  	[tilespmem:s14], [sflag:$0x1] =	stream.indirect_vreg.gather [hbm4b:s3+s2], $0x80, v4, vm0, $0xb8;
	[tilespmem:$0x8100] =	vst v63  }
0x16e: {  	v3 =	vperm.xlane v3, v2  }
0x16f: {  	[tilespmem:s15], [sflag:$0x1] =	stream.indirect_vreg.gather [hbm4b:s4+s2], $0x80, v4, vm0, $0xb8;
	[tilespmem:$0x8100] =	vst v63  }
0x170: {  	v3 =	vadd.s32 v1, v3  }
0x171: {  	[tilespmem:s16], [sflag:$0x1] =	stream.indirect_vreg.gather [hbm4b:s5+s2], $0x80, v4, vm0, $0xb8;
	[tilespmem:$0x8100] =	vst v63  }
0x172: {  	_ = 	snop  }
0x173: {  	[tilespmem:s17], [sflag:$0x1] =	stream.indirect_vreg.gather [hbm4b:s6+s2], $0x80, v4, vm0, $0xb8;
	[tilespmem:$0x8100] =	vst v63  }
0x174: {  	_ = 	snop  }
0x175: {  	[tilespmem:s18], [sflag:$0x1] =	stream.indirect_vreg.gather [hbm4b:s3+s2], $0x80, v3, vm0, $0xb8;
	[tilespmem:$0x8100] =	vst v63  }
0x176: {  	_ = 	snop  }
0x177: {  	[tilespmem:s19], [sflag:$0x1] =	stream.indirect_vreg.gather [hbm4b:s4+s2], $0x80, v3, vm0, $0xb8;
	[tilespmem:$0x8100] =	vst v63  }
0x178: {  	_ = 	snop  }
0x179: {  	[tilespmem:s20], [sflag:$0x1] =	stream.indirect_vreg.gather [hbm4b:s5+s2], $0x80, v3, vm0, $0xb8;
	[tilespmem:$0x8100] =	vst v63  }
0x17a: {  	_ = 	snop  }
0x17b: {  	[tilespmem:s21], [sflag:$0x1] =	stream.indirect_vreg.gather [hbm4b:s6+s2], $0x80, v3, vm0, $0xb8;
	[tilespmem:$0x8100] =	vst v63  }
0x17c: {  	_ =	swait.ge [sflag:s1], $0x4000  }
0x17d: {  	[sflag:s1] =	ssyncset.done $0x0  }
0x17e: {  	[sflag:s1] =	ssyncadd.s32 $0xFFFFC000  }
0x17f: {  	[hbm4b:s7+s2] =	stream.linear.scatter [tilespmem:s22], [sflag:$0x3], $0x4000, $0x38;
	[tilespmem:$0x8100] =	vst v63  }
0x180: {  	_ =	swait.ge [sflag:s13], $0x4000  }
0x181: {  	[sflag:s13] =	ssyncset.done $0x0  }
0x182: {  	[sflag:s13] =	ssyncadd.s32 $0xFFFFC000  }
0x183: {  	v3 =	vld [tilespmem:$0xD0];
	_ =	sdelay $0x4  }
0x184: {  	v61 =	vshll.u32 v3, $0x3  }
0x185: {  	v3 =	vand.u32 $0x7, v3;
	v4 =	vand.u32 $0xFFFFFFC0, v61  }
0x186: {  	v3 =	vor.u32 v3, v4  }
0x187: {  	v4 =	vperm.xlane v3, v0;
	_ =	sdelay $0x1  }
0x188: {  	v4 =	vadd.s32 v1, v4;
	_ =	sdelay $0x4  }
0x189: {  	[tilespmem:s22], [sflag:$0x2] =	stream.indirect_vreg.gather [hbm4b:s3+s2], $0x80, v4, vm0, $0xb8;
	[tilespmem:$0x8100] =	vst v63  }
0x18a: {  	v3 =	vperm.xlane v3, v2  }
0x18b: {  	[tilespmem:s23], [sflag:$0x2] =	stream.indirect_vreg.gather [hbm4b:s4+s2], $0x80, v4, vm0, $0xb8;
	[tilespmem:$0x8100] =	vst v63  }
0x18c: {  	v3 =	vadd.s32 v1, v3  }
0x18d: {  	[tilespmem:s24], [sflag:$0x2] =	stream.indirect_vreg.gather [hbm4b:s5+s2], $0x80, v4, vm0, $0xb8;
	[tilespmem:$0x8100] =	vst v63  }
0x18e: {  	_ = 	snop  }
0x18f: {  	[tilespmem:s25], [sflag:$0x2] =	stream.indirect_vreg.gather [hbm4b:s6+s2], $0x80, v4, vm0, $0xb8;
	[tilespmem:$0x8100] =	vst v63  }
0x190: {  	_ = 	snop  }
0x191: {  	[tilespmem:s26], [sflag:$0x2] =	stream.indirect_vreg.gather [hbm4b:s3+s2], $0x80, v3, vm0, $0xb8;
	[tilespmem:$0x8100] =	vst v63  }
0x192: {  	_ = 	snop  }
0x193: {  	[tilespmem:s28], [sflag:$0x2] =	stream.indirect_vreg.gather [hbm4b:s4+s2], $0x80, v3, vm0, $0xb8;
	[tilespmem:$0x8100] =	vst v63  }
0x194: {  	_ = 	snop  }
0x195: {  	[tilespmem:s29], [sflag:$0x2] =	stream.indirect_vreg.gather [hbm4b:s5+s2], $0x80, v3, vm0, $0xb8;
	[tilespmem:$0x8100] =	vst v63  }
0x196: {  	_ = 	snop  }
0x197: {  	[tilespmem:s30], [sflag:$0x2] =	stream.indirect_vreg.gather [hbm4b:s6+s2], $0x80, v3, vm0, $0xb8;
	[tilespmem:$0x8100] =	vst v63  }
0x198: {  	_ =	swait.ge [sflag:s31], $0x4000  }
0x199: {  	[sflag:s31] =	ssyncset.done $0x0  }
0x19a: {  	[sflag:s31] =	ssyncadd.s32 $0xFFFFC000  }
0x19b: {  	[hbm4b:s8+s2] =	stream.linear.scatter [tilespmem:s14], [sflag:$0x3], $0x4000, $0x38;
	[tilespmem:$0x8100] =	vst v63  }
0x19c: {  	_ =	swait.ge [sflag:s13], $0x4000  }
0x19d: {  	[sflag:s13] =	ssyncset.done $0x0  }
0x19e: {  	[sflag:s13] =	ssyncadd.s32 $0xFFFFC000  }
0x19f: {  	v3 =	vld [tilespmem:$0xE0];
	_ =	sdelay $0x4  }
0x1a0: {  	v62 =	vshll.u32 v3, $0x3  }
0x1a1: {  	v3 =	vand.u32 $0x7, v3;
	v4 =	vand.u32 $0xFFFFFFC0, v62  }
0x1a2: {  	v3 =	vor.u32 v3, v4  }
0x1a3: {  	v4 =	vperm.xlane v3, v0;
	_ =	sdelay $0x1  }
0x1a4: {  	v4 =	vadd.s32 v1, v4;
	_ =	sdelay $0x4  }
0x1a5: {  	[tilespmem:s14], [sflag:$0x1] =	stream.indirect_vreg.gather [hbm4b:s3+s2], $0x80, v4, vm0, $0xb8;
	[tilespmem:$0x8100] =	vst v63  }
0x1a6: {  	v3 =	vperm.xlane v3, v2  }
0x1a7: {  	[tilespmem:s15], [sflag:$0x1] =	stream.indirect_vreg.gather [hbm4b:s4+s2], $0x80, v4, vm0, $0xb8;
	[tilespmem:$0x8100] =	vst v63  }
0x1a8: {  	v3 =	vadd.s32 v1, v3  }
0x1a9: {  	[tilespmem:s16], [sflag:$0x1] =	stream.indirect_vreg.gather [hbm4b:s5+s2], $0x80, v4, vm0, $0xb8;
	[tilespmem:$0x8100] =	vst v63  }
0x1aa: {  	_ = 	snop  }
0x1ab: {  	[tilespmem:s17], [sflag:$0x1] =	stream.indirect_vreg.gather [hbm4b:s6+s2], $0x80, v4, vm0, $0xb8;
	[tilespmem:$0x8100] =	vst v63  }
0x1ac: {  	_ = 	snop  }
0x1ad: {  	[tilespmem:s18], [sflag:$0x1] =	stream.indirect_vreg.gather [hbm4b:s3+s2], $0x80, v3, vm0, $0xb8;
	[tilespmem:$0x8100] =	vst v63  }
0x1ae: {  	_ = 	snop  }
0x1af: {  	[tilespmem:s19], [sflag:$0x1] =	stream.indirect_vreg.gather [hbm4b:s4+s2], $0x80, v3, vm0, $0xb8;
	[tilespmem:$0x8100] =	vst v63  }
0x1b0: {  	_ = 	snop  }
0x1b1: {  	[tilespmem:s20], [sflag:$0x1] =	stream.indirect_vreg.gather [hbm4b:s5+s2], $0x80, v3, vm0, $0xb8;
	[tilespmem:$0x8100] =	vst v63  }
0x1b2: {  	_ = 	snop  }
0x1b3: {  	[tilespmem:s21], [sflag:$0x1] =	stream.indirect_vreg.gather [hbm4b:s6+s2], $0x80, v3, vm0, $0xb8;
	[tilespmem:$0x8100] =	vst v63  }
0x1b4: {  	_ =	swait.ge [sflag:s1], $0x4000  }
0x1b5: {  	[sflag:s1] =	ssyncset.done $0x0  }
0x1b6: {  	[sflag:s1] =	ssyncadd.s32 $0xFFFFC000  }
0x1b7: {  	[hbm4b:s9+s2] =	stream.linear.scatter [tilespmem:s22], [sflag:$0x3], $0x4000, $0x38;
	[tilespmem:$0x8100] =	vst v63  }
0x1b8: {  	_ =	swait.ge [sflag:s13], $0x4000  }
0x1b9: {  	[sflag:s13] =	ssyncset.done $0x0  }
0x1ba: {  	[sflag:s13] =	ssyncadd.s32 $0xFFFFC000  }
0x1bb: {  	v3 =	vld [tilespmem:$0xF0];
	_ =	sdelay $0x4  }
0x1bc: {  	v63 =	vshll.u32 v3, $0x3  }
0x1bd: {  	v3 =	vand.u32 $0x7, v3;
	v4 =	vand.u32 $0xFFFFFFC0, v63  }
0x1be: {  	v3 =	vor.u32 v3, v4  }
0x1bf: {  	v4 =	vperm.xlane v3, v0;
	_ =	sdelay $0x1  }
0x1c0: {  	v4 =	vadd.s32 v1, v4;
	_ =	sdelay $0x4  }
0x1c1: {  	[tilespmem:s22], [sflag:$0x2] =	stream.indirect_vreg.gather [hbm4b:s3+s2], $0x80, v4, vm0, $0xb8;
	[tilespmem:$0x8100] =	vst v63  }
0x1c2: {  	v3 =	vperm.xlane v3, v2  }
0x1c3: {  	[tilespmem:s23], [sflag:$0x2] =	stream.indirect_vreg.gather [hbm4b:s4+s2], $0x80, v4, vm0, $0xb8;
	[tilespmem:$0x8100] =	vst v63  }
0x1c4: {  	v3 =	vadd.s32 v1, v3  }
0x1c5: {  	[tilespmem:s24], [sflag:$0x2] =	stream.indirect_vreg.gather [hbm4b:s5+s2], $0x80, v4, vm0, $0xb8;
	[tilespmem:$0x8100] =	vst v63  }
0x1c6: {  	_ = 	snop  }
0x1c7: {  	[tilespmem:s25], [sflag:$0x2] =	stream.indirect_vreg.gather [hbm4b:s6+s2], $0x80, v4, vm0, $0xb8;
	[tilespmem:$0x8100] =	vst v63  }
0x1c8: {  	_ = 	snop  }
0x1c9: {  	[tilespmem:s26], [sflag:$0x2] =	stream.indirect_vreg.gather [hbm4b:s3+s2], $0x80, v3, vm0, $0xb8;
	[tilespmem:$0x8100] =	vst v63  }
0x1ca: {  	_ = 	snop  }
0x1cb: {  	[tilespmem:s28], [sflag:$0x2] =	stream.indirect_vreg.gather [hbm4b:s4+s2], $0x80, v3, vm0, $0xb8;
	[tilespmem:$0x8100] =	vst v63  }
0x1cc: {  	_ = 	snop  }
0x1cd: {  	[tilespmem:s29], [sflag:$0x2] =	stream.indirect_vreg.gather [hbm4b:s5+s2], $0x80, v3, vm0, $0xb8;
	[tilespmem:$0x8100] =	vst v63  }
0x1ce: {  	_ = 	snop  }
0x1cf: {  	[tilespmem:s30], [sflag:$0x2] =	stream.indirect_vreg.gather [hbm4b:s6+s2], $0x80, v3, vm0, $0xb8;
	[tilespmem:$0x8100] =	vst v63  }
0x1d0: {  	_ =	swait.ge [sflag:s31], $0x4000  }
0x1d1: {  	[sflag:s31] =	ssyncset.done $0x0  }
0x1d2: {  	[sflag:s31] =	ssyncadd.s32 $0xFFFFC000  }
0x1d3: {  	[hbm4b:s10+s2] =	stream.linear.scatter [tilespmem:s14], [sflag:$0x3], $0x4000, $0x38;
	[tilespmem:$0x8100] =	vst v63  }
0x1d4: {  	_ =	swait.ge [sflag:s13], $0x4000  }
0x1d5: {  	[sflag:s13] =	ssyncset.done $0x0  }
0x1d6: {  	[sflag:s13] =	ssyncadd.s32 $0xFFFFC000  }
0x1d7: {  	_ =	swait.ge [sflag:s1], $0x4000  }
0x1d8: {  	p0 =	sne.s32 s12, $0x1;
	[sflag:s1] =	ssyncset.done $0x0  }
.Ltmp0:
0x1d9: {  	[sflag:s1] =	ssyncadd.s32 $0xFFFFC000;
	(pc) =	sbr.rel @p0 .LBB2_1-.Ltmp0, $4  }
0x1da: {  	[hbm4b:s11+s2] =	stream.linear.scatter [tilespmem:s22], [sflag:$0x3], $0x4000, $0x38;
	[tilespmem:$0x8100] =	vst v63  }
0x1db: {  	_ =	swait.ge [sflag:s13], $0x4000  }
0x1dc: {  	[sflag:s13] =	ssyncset.done $0x0  }
0x1dd: {  	s12 =	sadd.s32 $0xFFFFFFFF, s12;
	[sflag:s13] =	ssyncadd.s32 $0xFFFFC000  }
0x1de: {  	_ =	sfence.sel $0x180000  }
0x1df: {  	[bflag:$0x0] =	sbarrier.arrive $0xFFFF  }
0x1e0: {  	_ =	strace $0x90000047  }
0x1e1: {  	s0 =	stileid.u32;
	[bflag:$0x2] =	sbarrier.arrive $0xFFFF  }
0x1e2: {  	p0 =	sne.s32 s0, $0x0;
	s0 =	rddreg [dreg:$0x2]  }
0x1e3: {  	s0 =	sadd.s32 @!p0 $0x100000, s0  }
0x1e4: {  	[sflag:s0] =	ssyncadd.tile.s32 @!p0 $0x1;
	_ =	shalt  }
.Lfunc_end2:
_tile_overlayer_lowered:
.L_overlay_start_2:
0x1e5: {  	(tag) =	ssettag $0x2  }
0x1e6: {  	s0 =	rddreg [dreg:$0x0];
	s2 =	stileid.u32  }
0x1e7: {  	s1 =	rddreg [dreg:$0x1];
	p0 =	sne.s32 s2, $0x0  }
0x1e8: {  	s3 =	rddreg [dreg:$0x2];
	[bflag:$0x3] =	sbarrier.arrive $0xFFFF;
	s2 =	simm.s32 @!p0 $0x1C03  }
0x1e9: {  	[timem:s3], [sflag:s2] =	dma.local @!p0 [hbm:s0], s1  }
0x1ea: {  	s0 =	simm.s32 @!p0 $0x3  }
0x1eb: {  	_ =	swait.ge @!p0 [sflag:s0], s1  }
0x1ec: {  	s1 =	ssub.s32 @!p0 $0x0, s1;
	[sflag:s0] =	ssyncset.done @!p0 $0x0  }
0x1ed: {  	[sflag:s0] =	ssyncadd.s32 @!p0 s1  }
0x1ee: {  	[bflag:$0x3] =	sbarrier.arrive $0xFFFF  }
0x1ef: {  	_ =	shalt  }

</sc_bundles>
